<compile_context>
chip_gen: v7x
topology: tpu7x:2x2x1
jax: 0.10.2.dev20260603
libtpu: 0.0.44.dev20260713+nightly
codegen_flags: <defaults>
</compile_context>

<pallas_src>
import jax
import jax.numpy as jnp
from jax import lax
from jax.experimental import pallas as pl
from jax.experimental.pallas import tpu as pltpu
from jax.experimental.pallas import tpu_sc as plsc

N = 320000
D = 128
H = 64
NUM_SEG = 1024

NC = 2
NS = 16
NW = NC * NS
ROWS = 80
COLS = 128
NPAD = NW * ROWS * COLS

BN = 20480
NBLK = NPAD // BN
BND = BN // 128

GRP = 10


def _mlp_body(x_ref, w1_ref, b1_ref, w2_ref, b2_ref, o_ref):
    x = x_ref[...]
    h = lax.dot_general(x, w1_ref[...], (((1,), (0,)), ((), ())),
                        preferred_element_type=jnp.float32)
    h = h + b1_ref[...]
    h = h * jax.nn.sigmoid(h)
    atom = jnp.sum(h * w2_ref[...], axis=1) + b2_ref[0, 0]
    atom2 = atom.reshape(BND, 128)
    a = lax.broadcasted_iota(jnp.int32, (BND, 128), 0)
    b = lax.broadcasted_iota(jnp.int32, (BND, 128), 1)
    glob = pl.program_id(0) * BN + a * 128 + b
    o_ref[...] = jnp.where(glob < N, atom2, 0.0)


def _atom_values(x_scalar, W1, b1, W2, b2):
    return pl.pallas_call(
        _mlp_body,
        grid=(NBLK,),
        in_specs=[
            pl.BlockSpec((BN, D), lambda i: (i, 0)),
            pl.BlockSpec((D, H), lambda i: (0, 0)),
            pl.BlockSpec((1, H), lambda i: (0, 0)),
            pl.BlockSpec((1, H), lambda i: (0, 0)),
            pl.BlockSpec((1, 1), lambda i: (0, 0)),
        ],
        out_specs=pl.BlockSpec((BND, 128), lambda i: (i, 0)),
        out_shape=jax.ShapeDtypeStruct((NPAD // 128, 128), jnp.float32),
    )(x_scalar, W1, b1.reshape(1, H), W2.reshape(1, H), b2.reshape(1, 1))


def _segsum_body(vals_hbm, idx_hbm, zeros_hbm, out_hbm, vals_v, idx_v, acc, sem):
    c = lax.axis_index("c")
    s = lax.axis_index("s")
    wid = s * NC + c
    pltpu.sync_copy(vals_hbm.at[wid], vals_v)
    pltpu.sync_copy(idx_hbm.at[wid], idx_v)

    @pl.when(s == 0)
    def _():
        pltpu.sync_copy(zeros_hbm, acc)

    plsc.subcore_barrier()

    def body(j, carry):
        base = j * GRP
        copies = [
            pltpu.async_copy(vals_v.at[base + t], acc.at[idx_v.at[base + t]],
                             sem, add=True)
            for t in range(GRP)
        ]
        for cp in copies:
            cp.wait()
        return carry

    lax.fori_loop(0, ROWS // GRP, body, 0)
    plsc.subcore_barrier()

    @pl.when(s == 0)
    def _():
        pltpu.sync_copy(acc, out_hbm.at[c])


def _segsum():
    return pl.kernel(
        _segsum_body,
        out_type=jax.ShapeDtypeStruct((NC, NUM_SEG), jnp.float32),
        mesh=plsc.VectorSubcoreMesh(core_axis_name="c", subcore_axis_name="s"),
        scratch_types=[
            pltpu.VMEM((ROWS, COLS), jnp.float32),
            pltpu.VMEM((ROWS, COLS), jnp.int32),
            pltpu.VMEM_SHARED((NUM_SEG,), jnp.float32),
            pltpu.SemaphoreType.DMA,
        ],
    )


def kernel(x_scalar, x_spherical, coord, batch_index, W1, b1, W2, b2):
    atom = _atom_values(x_scalar, W1, b1, W2, b2)
    vals = atom.reshape(NW, ROWS, COLS)
    idx = jnp.pad(batch_index.astype(jnp.int32), (0, NPAD - N))
    idx = idx.reshape(NW, ROWS, COLS)
    zeros = jnp.zeros((NUM_SEG,), jnp.float32)
    partial = _segsum()(vals, idx, zeros)
    return (partial[0] + partial[1]).reshape(NUM_SEG, 1)

# --- scband reference (transcript-rebuilt; emitter-appended) ---
"""Pipeline reference for scband-scalar-out-61503931678824 (READ-ONLY COPY).

The authoritative reference and input builder live on the scoring server;
editing this copy changes nothing except your own understanding.
"""

import jax, jax.numpy as jnp
import numpy as np

N = 320000
D = 128
H = 64
O = 1
NUM_SEG = 1024


def setup_inputs(seed: int = 0) -> dict:
    key = jax.random.key(seed)
    k1, k2, k3, k4, k5, k6 = jax.random.split(key, 6)
    x_scalar = jax.random.normal(k1, (N, D), dtype=jnp.float32)
    x_spherical = jax.random.normal(k2, (N, 16), dtype=jnp.float32)
    coord = jax.random.normal(k3, (N, 3), dtype=jnp.float32)
    batch_index = jnp.sort(jax.random.randint(k4, (N,), 0, NUM_SEG))
    # Learned parameters for out_mlp: Linear(D,H) -> SiLU -> Linear(H,O)
    W1 = jax.random.normal(k5, (D, H), dtype=jnp.float32) * (1.0 / np.sqrt(D))
    b1 = jnp.zeros((H,), dtype=jnp.float32)  # init zeros per module
    W2 = jax.random.normal(k6, (H, O), dtype=jnp.float32) * (1.0 / np.sqrt(H))
    b2 = jnp.full((O,), 0.0, dtype=jnp.float32)  # node_bias=0.0
    return {
        "x_scalar": x_scalar,
        "x_spherical": x_spherical,
        "coord": coord,
        "batch_index": batch_index,
        "W1": W1,
        "b1": b1,
        "W2": W2,
        "b2": b2,
    }


def reference(x_scalar, x_spherical, coord, batch_index, W1, b1, W2, b2):
    # out_mlp: Linear -> SiLU -> Linear
    h = jnp.dot(x_scalar, W1) + b1
    h = h * jax.nn.sigmoid(h)  # silu
    atom_out = jnp.dot(h, W2) + b2  # [N, 1]
    # scatter(atom_out, batch_index, dim=0) with default sum reduce
    res = jax.ops.segment_sum(atom_out, batch_index, num_segments=NUM_SEG)
    return res

if __name__ == "__main__":
    import jax
    _d = setup_inputs()
    print(jax.jit(kernel)(*tuple(_d.values())))

</pallas_src>

<mosaic_0001>
#map = affine_map<(d0, d1) -> (0, 0, 0)>
#map1 = affine_map<(d0, d1) -> (0)>
#map2 = affine_map<(d0, d1) -> (0, 0)>
module attributes {stable_mosaic.version = 14 : i64} {
  func.func @_segsum_body(%arg0: i32, %arg1: i32, %arg2: memref<32x80x128xf32, #tpu.memory_space<hbm>>, %arg3: memref<32x80x128xi32, #tpu.memory_space<hbm>>, %arg4: memref<1024xf32, #tpu.memory_space<hbm>>, %arg5: memref<2x1024xf32, #tpu.memory_space<hbm>>, %arg6: memref<80x128xf32, #tpu.memory_space<vmem>>, %arg7: memref<80x128xi32, #tpu.memory_space<vmem>>, %arg8: memref<1024xf32, #tpu.memory_space<vmem_shared>>, %arg9: memref<!tpu.dma_semaphore, #tpu.memory_space<semaphore_mem>>) attributes {dimension_semantics = [#tpu.dimension_semantics<core_parallel>, #tpu.dimension_semantics<subcore_parallel>], iteration_bounds = array<i64: 2, 16>, scalar_prefetch = 0 : i64, scratch_operands = 4 : i64, tpu.core_type = #tpu.core_type<sc_vector_subcore>, window_params = [{transform_indices = #map}, {transform_indices = #map}, {transform_indices = #map1}, {transform_indices = #map2}]} {
    %mul3A = arith.constant 2 : i32
    %mul3A_0 = arith.muli %arg1, %mul3A : i32
    %add3A = arith.addi %mul3A_0, %arg0 : i32
    "tpu.region"() ({
      %run_scoped3A = tpu.sem_alloc : memref<!tpu.dma_semaphore, #tpu.memory_space<semaphore_mem>>
      %dma_start3A = arith.constant 0 : i32
      %dma_start3A_14 = arith.constant 0 : i32
      %dma_start3A_15 = tpu.memref_slice %arg2[%add3A, %dma_start3A, %dma_start3A_14] : memref<32x80x128xf32, #tpu.memory_space<hbm>> -> memref<1x80x128xf32, #tpu.memory_space<hbm>>
      %dma_start3A_16 = tpu.memref_squeeze %dma_start3A_15 : memref<1x80x128xf32, #tpu.memory_space<hbm>> -> memref<80x128xf32, #tpu.memory_space<hbm>>
      %dma_start3A_17 = arith.constant 0 : i32
      %dma_start3A_18 = arith.constant 0 : i32
      %dma_start3A_19 = tpu.memref_slice %arg2[%add3A, %dma_start3A_17, %dma_start3A_18] : memref<32x80x128xf32, #tpu.memory_space<hbm>> -> memref<1x80x128xf32, #tpu.memory_space<hbm>>
      %dma_start3A_20 = tpu.memref_squeeze %dma_start3A_19 : memref<1x80x128xf32, #tpu.memory_space<hbm>> -> memref<80x128xf32, #tpu.memory_space<hbm>>
      tpu.enqueue_dma source(%dma_start3A_20 : memref<80x128xf32, #tpu.memory_space<hbm>>) target(%arg6 : memref<80x128xf32, #tpu.memory_space<vmem>>) target_semaphore(%run_scoped3A : memref<!tpu.dma_semaphore, #tpu.memory_space<semaphore_mem>>)
      %dma_wait3A = arith.constant 0 : i32
      %dma_wait3A_21 = arith.constant 0 : i32
      %dma_wait3A_22 = tpu.memref_slice %arg2[%add3A, %dma_wait3A, %dma_wait3A_21] : memref<32x80x128xf32, #tpu.memory_space<hbm>> -> memref<1x80x128xf32, #tpu.memory_space<hbm>>
      %dma_wait3A_23 = tpu.memref_squeeze %dma_wait3A_22 : memref<1x80x128xf32, #tpu.memory_space<hbm>> -> memref<80x128xf32, #tpu.memory_space<hbm>>
      %dma_wait3A_24 = arith.constant 0 : i32
      %dma_wait3A_25 = arith.constant 0 : i32
      %dma_wait3A_26 = tpu.memref_slice %arg2[%add3A, %dma_wait3A_24, %dma_wait3A_25] : memref<32x80x128xf32, #tpu.memory_space<hbm>> -> memref<1x80x128xf32, #tpu.memory_space<hbm>>
      %dma_wait3A_27 = tpu.memref_squeeze %dma_wait3A_26 : memref<1x80x128xf32, #tpu.memory_space<hbm>> -> memref<80x128xf32, #tpu.memory_space<hbm>>
      tpu.wait_dma2 semaphore(%run_scoped3A : memref<!tpu.dma_semaphore, #tpu.memory_space<semaphore_mem>>) src(%dma_wait3A_27 : memref<80x128xf32, #tpu.memory_space<hbm>>) dst(%arg6 : memref<80x128xf32, #tpu.memory_space<vmem>>)
      tpu.yield
    }) : () -> ()
    "tpu.region"() ({
      %run_scoped3A = tpu.sem_alloc : memref<!tpu.dma_semaphore, #tpu.memory_space<semaphore_mem>>
      %dma_start3A = arith.constant 0 : i32
      %dma_start3A_14 = arith.constant 0 : i32
      %dma_start3A_15 = tpu.memref_slice %arg3[%add3A, %dma_start3A, %dma_start3A_14] : memref<32x80x128xi32, #tpu.memory_space<hbm>> -> memref<1x80x128xi32, #tpu.memory_space<hbm>>
      %dma_start3A_16 = tpu.memref_squeeze %dma_start3A_15 : memref<1x80x128xi32, #tpu.memory_space<hbm>> -> memref<80x128xi32, #tpu.memory_space<hbm>>
      %dma_start3A_17 = arith.constant 0 : i32
      %dma_start3A_18 = arith.constant 0 : i32
      %dma_start3A_19 = tpu.memref_slice %arg3[%add3A, %dma_start3A_17, %dma_start3A_18] : memref<32x80x128xi32, #tpu.memory_space<hbm>> -> memref<1x80x128xi32, #tpu.memory_space<hbm>>
      %dma_start3A_20 = tpu.memref_squeeze %dma_start3A_19 : memref<1x80x128xi32, #tpu.memory_space<hbm>> -> memref<80x128xi32, #tpu.memory_space<hbm>>
      tpu.enqueue_dma source(%dma_start3A_20 : memref<80x128xi32, #tpu.memory_space<hbm>>) target(%arg7 : memref<80x128xi32, #tpu.memory_space<vmem>>) target_semaphore(%run_scoped3A : memref<!tpu.dma_semaphore, #tpu.memory_space<semaphore_mem>>)
      %dma_wait3A = arith.constant 0 : i32
      %dma_wait3A_21 = arith.constant 0 : i32
      %dma_wait3A_22 = tpu.memref_slice %arg3[%add3A, %dma_wait3A, %dma_wait3A_21] : memref<32x80x128xi32, #tpu.memory_space<hbm>> -> memref<1x80x128xi32, #tpu.memory_space<hbm>>
      %dma_wait3A_23 = tpu.memref_squeeze %dma_wait3A_22 : memref<1x80x128xi32, #tpu.memory_space<hbm>> -> memref<80x128xi32, #tpu.memory_space<hbm>>
      %dma_wait3A_24 = arith.constant 0 : i32
      %dma_wait3A_25 = arith.constant 0 : i32
      %dma_wait3A_26 = tpu.memref_slice %arg3[%add3A, %dma_wait3A_24, %dma_wait3A_25] : memref<32x80x128xi32, #tpu.memory_space<hbm>> -> memref<1x80x128xi32, #tpu.memory_space<hbm>>
      %dma_wait3A_27 = tpu.memref_squeeze %dma_wait3A_26 : memref<1x80x128xi32, #tpu.memory_space<hbm>> -> memref<80x128xi32, #tpu.memory_space<hbm>>
      tpu.wait_dma2 semaphore(%run_scoped3A : memref<!tpu.dma_semaphore, #tpu.memory_space<semaphore_mem>>) src(%dma_wait3A_27 : memref<80x128xi32, #tpu.memory_space<hbm>>) dst(%arg7 : memref<80x128xi32, #tpu.memory_space<vmem>>)
      tpu.yield
    }) : () -> ()
    %eq3A = arith.constant 0 : i32
    %eq3A_1 = arith.cmpi eq, %arg1, %eq3A : i32
    %convert_element_type3A = arith.extui %eq3A_1 : i1 to i32
    %cond3A = arith.constant 0 : i32
    %cond3A_2 = arith.cmpi ne, %convert_element_type3A, %cond3A : i32
    scf.if %cond3A_2 {
      "tpu.region"() ({
        %run_scoped3A = tpu.sem_alloc : memref<!tpu.dma_semaphore, #tpu.memory_space<semaphore_mem>>
        tpu.enqueue_dma source(%arg4 : memref<1024xf32, #tpu.memory_space<hbm>>) target(%arg8 : memref<1024xf32, #tpu.memory_space<vmem_shared>>) target_semaphore(%run_scoped3A : memref<!tpu.dma_semaphore, #tpu.memory_space<semaphore_mem>>)
        tpu.wait_dma2 semaphore(%run_scoped3A : memref<!tpu.dma_semaphore, #tpu.memory_space<semaphore_mem>>) src(%arg4 : memref<1024xf32, #tpu.memory_space<hbm>>) dst(%arg8 : memref<1024xf32, #tpu.memory_space<vmem_shared>>)
        tpu.yield
      }) : () -> ()
    } else {
    }
    %barrier3A = arith.constant 0 : index
    tpu.barrier barrier_id(%barrier3A)
    %scan3A = arith.constant 0 : i32
    %scan3A_3 = arith.constant 0 : i32
    %scan3A_4 = arith.constant 8 : i32
    %scan3A_5 = arith.addi %scan3A_3, %scan3A_4 : i32
    %scan3A_6 = arith.constant 1 : i32
    scf.for %scan3A_14 = %scan3A_3 to %scan3A_5 step %scan3A_6  : i32 {
      %mul3A_15 = arith.constant 10 : i32
      %mul3A_16 = arith.muli %scan3A_14, %mul3A_15 : i32
      %add3A_17 = arith.constant 0 : i32
      %add3A_18 = arith.addi %mul3A_16, %add3A_17 : i32
      %add3A_19 = arith.constant 0 : i32
      %add3A_20 = arith.addi %mul3A_16, %add3A_19 : i32
      %dma_start3A = arith.constant 0 : i32
      %dma_start3A_21 = tpu.memref_slice %arg6[%add3A_18, %dma_start3A] : memref<80x128xf32, #tpu.memory_space<vmem>> -> memref<1x128xf32, #tpu.memory_space<vmem>>
      %dma_start3A_22 = tpu.memref_squeeze %dma_start3A_21 : memref<1x128xf32, #tpu.memory_space<vmem>> -> memref<128xf32, #tpu.memory_space<vmem>>
      %dma_start3A_23 = arith.constant 0 : i32
      %dma_start3A_24 = tpu.memref_slice %arg7[%add3A_20, %dma_start3A_23] : memref<80x128xi32, #tpu.memory_space<vmem>> -> memref<1x128xi32, #tpu.memory_space<vmem>>
      %dma_start3A_25 = tpu.memref_squeeze %dma_start3A_24 : memref<1x128xi32, #tpu.memory_space<vmem>> -> memref<128xi32, #tpu.memory_space<vmem>>
      %dma_start3A_26 = arith.constant 0 : i32
      %dma_start3A_27 = tpu.memref_slice %arg8[%dma_start3A_26] : memref<1024xf32, #tpu.memory_space<vmem_shared>> -> memref<1024xf32, #tpu.memory_space<vmem_shared>>
      tpu.enqueue_indirect_dma source(%dma_start3A_22 : memref<128xf32, #tpu.memory_space<vmem>>) target(%dma_start3A_27 : memref<1024xf32, #tpu.memory_space<vmem_shared>>) offsets(%dma_start3A_25 : memref<128xi32, #tpu.memory_space<vmem>>) semaphore(%arg9 : memref<!tpu.dma_semaphore, #tpu.memory_space<semaphore_mem>>) {add = true}
      %add3A_28 = arith.constant 1 : i32
      %add3A_29 = arith.addi %mul3A_16, %add3A_28 : i32
      %add3A_30 = arith.constant 1 : i32
      %add3A_31 = arith.addi %mul3A_16, %add3A_30 : i32
      %dma_start3A_32 = arith.constant 0 : i32
      %dma_start3A_33 = tpu.memref_slice %arg6[%add3A_29, %dma_start3A_32] : memref<80x128xf32, #tpu.memory_space<vmem>> -> memref<1x128xf32, #tpu.memory_space<vmem>>
      %dma_start3A_34 = tpu.memref_squeeze %dma_start3A_33 : memref<1x128xf32, #tpu.memory_space<vmem>> -> memref<128xf32, #tpu.memory_space<vmem>>
      %dma_start3A_35 = arith.constant 0 : i32
      %dma_start3A_36 = tpu.memref_slice %arg7[%add3A_31, %dma_start3A_35] : memref<80x128xi32, #tpu.memory_space<vmem>> -> memref<1x128xi32, #tpu.memory_space<vmem>>
      %dma_start3A_37 = tpu.memref_squeeze %dma_start3A_36 : memref<1x128xi32, #tpu.memory_space<vmem>> -> memref<128xi32, #tpu.memory_space<vmem>>
      %dma_start3A_38 = arith.constant 0 : i32
      %dma_start3A_39 = tpu.memref_slice %arg8[%dma_start3A_38] : memref<1024xf32, #tpu.memory_space<vmem_shared>> -> memref<1024xf32, #tpu.memory_space<vmem_shared>>
      tpu.enqueue_indirect_dma source(%dma_start3A_34 : memref<128xf32, #tpu.memory_space<vmem>>) target(%dma_start3A_39 : memref<1024xf32, #tpu.memory_space<vmem_shared>>) offsets(%dma_start3A_37 : memref<128xi32, #tpu.memory_space<vmem>>) semaphore(%arg9 : memref<!tpu.dma_semaphore, #tpu.memory_space<semaphore_mem>>) {add = true}
      %add3A_40 = arith.constant 2 : i32
      %add3A_41 = arith.addi %mul3A_16, %add3A_40 : i32
      %add3A_42 = arith.constant 2 : i32
      %add3A_43 = arith.addi %mul3A_16, %add3A_42 : i32
      %dma_start3A_44 = arith.constant 0 : i32
      %dma_start3A_45 = tpu.memref_slice %arg6[%add3A_41, %dma_start3A_44] : memref<80x128xf32, #tpu.memory_space<vmem>> -> memref<1x128xf32, #tpu.memory_space<vmem>>
      %dma_start3A_46 = tpu.memref_squeeze %dma_start3A_45 : memref<1x128xf32, #tpu.memory_space<vmem>> -> memref<128xf32, #tpu.memory_space<vmem>>
      %dma_start3A_47 = arith.constant 0 : i32
      %dma_start3A_48 = tpu.memref_slice %arg7[%add3A_43, %dma_start3A_47] : memref<80x128xi32, #tpu.memory_space<vmem>> -> memref<1x128xi32, #tpu.memory_space<vmem>>
      %dma_start3A_49 = tpu.memref_squeeze %dma_start3A_48 : memref<1x128xi32, #tpu.memory_space<vmem>> -> memref<128xi32, #tpu.memory_space<vmem>>
      %dma_start3A_50 = arith.constant 0 : i32
      %dma_start3A_51 = tpu.memref_slice %arg8[%dma_start3A_50] : memref<1024xf32, #tpu.memory_space<vmem_shared>> -> memref<1024xf32, #tpu.memory_space<vmem_shared>>
      tpu.enqueue_indirect_dma source(%dma_start3A_46 : memref<128xf32, #tpu.memory_space<vmem>>) target(%dma_start3A_51 : memref<1024xf32, #tpu.memory_space<vmem_shared>>) offsets(%dma_start3A_49 : memref<128xi32, #tpu.memory_space<vmem>>) semaphore(%arg9 : memref<!tpu.dma_semaphore, #tpu.memory_space<semaphore_mem>>) {add = true}
      %add3A_52 = arith.constant 3 : i32
      %add3A_53 = arith.addi %mul3A_16, %add3A_52 : i32
      %add3A_54 = arith.constant 3 : i32
      %add3A_55 = arith.addi %mul3A_16, %add3A_54 : i32
      %dma_start3A_56 = arith.constant 0 : i32
      %dma_start3A_57 = tpu.memref_slice %arg6[%add3A_53, %dma_start3A_56] : memref<80x128xf32, #tpu.memory_space<vmem>> -> memref<1x128xf32, #tpu.memory_space<vmem>>
      %dma_start3A_58 = tpu.memref_squeeze %dma_start3A_57 : memref<1x128xf32, #tpu.memory_space<vmem>> -> memref<128xf32, #tpu.memory_space<vmem>>
      %dma_start3A_59 = arith.constant 0 : i32
      %dma_start3A_60 = tpu.memref_slice %arg7[%add3A_55, %dma_start3A_59] : memref<80x128xi32, #tpu.memory_space<vmem>> -> memref<1x128xi32, #tpu.memory_space<vmem>>
      %dma_start3A_61 = tpu.memref_squeeze %dma_start3A_60 : memref<1x128xi32, #tpu.memory_space<vmem>> -> memref<128xi32, #tpu.memory_space<vmem>>
      %dma_start3A_62 = arith.constant 0 : i32
      %dma_start3A_63 = tpu.memref_slice %arg8[%dma_start3A_62] : memref<1024xf32, #tpu.memory_space<vmem_shared>> -> memref<1024xf32, #tpu.memory_space<vmem_shared>>
      tpu.enqueue_indirect_dma source(%dma_start3A_58 : memref<128xf32, #tpu.memory_space<vmem>>) target(%dma_start3A_63 : memref<1024xf32, #tpu.memory_space<vmem_shared>>) offsets(%dma_start3A_61 : memref<128xi32, #tpu.memory_space<vmem>>) semaphore(%arg9 : memref<!tpu.dma_semaphore, #tpu.memory_space<semaphore_mem>>) {add = true}
      %add3A_64 = arith.constant 4 : i32
      %add3A_65 = arith.addi %mul3A_16, %add3A_64 : i32
      %add3A_66 = arith.constant 4 : i32
      %add3A_67 = arith.addi %mul3A_16, %add3A_66 : i32
      %dma_start3A_68 = arith.constant 0 : i32
      %dma_start3A_69 = tpu.memref_slice %arg6[%add3A_65, %dma_start3A_68] : memref<80x128xf32, #tpu.memory_space<vmem>> -> memref<1x128xf32, #tpu.memory_space<vmem>>
      %dma_start3A_70 = tpu.memref_squeeze %dma_start3A_69 : memref<1x128xf32, #tpu.memory_space<vmem>> -> memref<128xf32, #tpu.memory_space<vmem>>
      %dma_start3A_71 = arith.constant 0 : i32
      %dma_start3A_72 = tpu.memref_slice %arg7[%add3A_67, %dma_start3A_71] : memref<80x128xi32, #tpu.memory_space<vmem>> -> memref<1x128xi32, #tpu.memory_space<vmem>>
      %dma_start3A_73 = tpu.memref_squeeze %dma_start3A_72 : memref<1x128xi32, #tpu.memory_space<vmem>> -> memref<128xi32, #tpu.memory_space<vmem>>
      %dma_start3A_74 = arith.constant 0 : i32
      %dma_start3A_75 = tpu.memref_slice %arg8[%dma_start3A_74] : memref<1024xf32, #tpu.memory_space<vmem_shared>> -> memref<1024xf32, #tpu.memory_space<vmem_shared>>
      tpu.enqueue_indirect_dma source(%dma_start3A_70 : memref<128xf32, #tpu.memory_space<vmem>>) target(%dma_start3A_75 : memref<1024xf32, #tpu.memory_space<vmem_shared>>) offsets(%dma_start3A_73 : memref<128xi32, #tpu.memory_space<vmem>>) semaphore(%arg9 : memref<!tpu.dma_semaphore, #tpu.memory_space<semaphore_mem>>) {add = true}
      %add3A_76 = arith.constant 5 : i32
      %add3A_77 = arith.addi %mul3A_16, %add3A_76 : i32
      %add3A_78 = arith.constant 5 : i32
      %add3A_79 = arith.addi %mul3A_16, %add3A_78 : i32
      %dma_start3A_80 = arith.constant 0 : i32
      %dma_start3A_81 = tpu.memref_slice %arg6[%add3A_77, %dma_start3A_80] : memref<80x128xf32, #tpu.memory_space<vmem>> -> memref<1x128xf32, #tpu.memory_space<vmem>>
      %dma_start3A_82 = tpu.memref_squeeze %dma_start3A_81 : memref<1x128xf32, #tpu.memory_space<vmem>> -> memref<128xf32, #tpu.memory_space<vmem>>
      %dma_start3A_83 = arith.constant 0 : i32
      %dma_start3A_84 = tpu.memref_slice %arg7[%add3A_79, %dma_start3A_83] : memref<80x128xi32, #tpu.memory_space<vmem>> -> memref<1x128xi32, #tpu.memory_space<vmem>>
      %dma_start3A_85 = tpu.memref_squeeze %dma_start3A_84 : memref<1x128xi32, #tpu.memory_space<vmem>> -> memref<128xi32, #tpu.memory_space<vmem>>
      %dma_start3A_86 = arith.constant 0 : i32
      %dma_start3A_87 = tpu.memref_slice %arg8[%dma_start3A_86] : memref<1024xf32, #tpu.memory_space<vmem_shared>> -> memref<1024xf32, #tpu.memory_space<vmem_shared>>
      tpu.enqueue_indirect_dma source(%dma_start3A_82 : memref<128xf32, #tpu.memory_space<vmem>>) target(%dma_start3A_87 : memref<1024xf32, #tpu.memory_space<vmem_shared>>) offsets(%dma_start3A_85 : memref<128xi32, #tpu.memory_space<vmem>>) semaphore(%arg9 : memref<!tpu.dma_semaphore, #tpu.memory_space<semaphore_mem>>) {add = true}
      %add3A_88 = arith.constant 6 : i32
      %add3A_89 = arith.addi %mul3A_16, %add3A_88 : i32
      %add3A_90 = arith.constant 6 : i32
      %add3A_91 = arith.addi %mul3A_16, %add3A_90 : i32
      %dma_start3A_92 = arith.constant 0 : i32
      %dma_start3A_93 = tpu.memref_slice %arg6[%add3A_89, %dma_start3A_92] : memref<80x128xf32, #tpu.memory_space<vmem>> -> memref<1x128xf32, #tpu.memory_space<vmem>>
      %dma_start3A_94 = tpu.memref_squeeze %dma_start3A_93 : memref<1x128xf32, #tpu.memory_space<vmem>> -> memref<128xf32, #tpu.memory_space<vmem>>
      %dma_start3A_95 = arith.constant 0 : i32
      %dma_start3A_96 = tpu.memref_slice %arg7[%add3A_91, %dma_start3A_95] : memref<80x128xi32, #tpu.memory_space<vmem>> -> memref<1x128xi32, #tpu.memory_space<vmem>>
      %dma_start3A_97 = tpu.memref_squeeze %dma_start3A_96 : memref<1x128xi32, #tpu.memory_space<vmem>> -> memref<128xi32, #tpu.memory_space<vmem>>
      %dma_start3A_98 = arith.constant 0 : i32
      %dma_start3A_99 = tpu.memref_slice %arg8[%dma_start3A_98] : memref<1024xf32, #tpu.memory_space<vmem_shared>> -> memref<1024xf32, #tpu.memory_space<vmem_shared>>
      tpu.enqueue_indirect_dma source(%dma_start3A_94 : memref<128xf32, #tpu.memory_space<vmem>>) target(%dma_start3A_99 : memref<1024xf32, #tpu.memory_space<vmem_shared>>) offsets(%dma_start3A_97 : memref<128xi32, #tpu.memory_space<vmem>>) semaphore(%arg9 : memref<!tpu.dma_semaphore, #tpu.memory_space<semaphore_mem>>) {add = true}
      %add3A_100 = arith.constant 7 : i32
      %add3A_101 = arith.addi %mul3A_16, %add3A_100 : i32
      %add3A_102 = arith.constant 7 : i32
      %add3A_103 = arith.addi %mul3A_16, %add3A_102 : i32
      %dma_start3A_104 = arith.constant 0 : i32
      %dma_start3A_105 = tpu.memref_slice %arg6[%add3A_101, %dma_start3A_104] : memref<80x128xf32, #tpu.memory_space<vmem>> -> memref<1x128xf32, #tpu.memory_space<vmem>>
      %dma_start3A_106 = tpu.memref_squeeze %dma_start3A_105 : memref<1x128xf32, #tpu.memory_space<vmem>> -> memref<128xf32, #tpu.memory_space<vmem>>
      %dma_start3A_107 = arith.constant 0 : i32
      %dma_start3A_108 = tpu.memref_slice %arg7[%add3A_103, %dma_start3A_107] : memref<80x128xi32, #tpu.memory_space<vmem>> -> memref<1x128xi32, #tpu.memory_space<vmem>>
      %dma_start3A_109 = tpu.memref_squeeze %dma_start3A_108 : memref<1x128xi32, #tpu.memory_space<vmem>> -> memref<128xi32, #tpu.memory_space<vmem>>
      %dma_start3A_110 = arith.constant 0 : i32
      %dma_start3A_111 = tpu.memref_slice %arg8[%dma_start3A_110] : memref<1024xf32, #tpu.memory_space<vmem_shared>> -> memref<1024xf32, #tpu.memory_space<vmem_shared>>
      tpu.enqueue_indirect_dma source(%dma_start3A_106 : memref<128xf32, #tpu.memory_space<vmem>>) target(%dma_start3A_111 : memref<1024xf32, #tpu.memory_space<vmem_shared>>) offsets(%dma_start3A_109 : memref<128xi32, #tpu.memory_space<vmem>>) semaphore(%arg9 : memref<!tpu.dma_semaphore, #tpu.memory_space<semaphore_mem>>) {add = true}
      %add3A_112 = arith.constant 8 : i32
      %add3A_113 = arith.addi %mul3A_16, %add3A_112 : i32
      %add3A_114 = arith.constant 8 : i32
      %add3A_115 = arith.addi %mul3A_16, %add3A_114 : i32
      %dma_start3A_116 = arith.constant 0 : i32
      %dma_start3A_117 = tpu.memref_slice %arg6[%add3A_113, %dma_start3A_116] : memref<80x128xf32, #tpu.memory_space<vmem>> -> memref<1x128xf32, #tpu.memory_space<vmem>>
      %dma_start3A_118 = tpu.memref_squeeze %dma_start3A_117 : memref<1x128xf32, #tpu.memory_space<vmem>> -> memref<128xf32, #tpu.memory_space<vmem>>
      %dma_start3A_119 = arith.constant 0 : i32
      %dma_start3A_120 = tpu.memref_slice %arg7[%add3A_115, %dma_start3A_119] : memref<80x128xi32, #tpu.memory_space<vmem>> -> memref<1x128xi32, #tpu.memory_space<vmem>>
      %dma_start3A_121 = tpu.memref_squeeze %dma_start3A_120 : memref<1x128xi32, #tpu.memory_space<vmem>> -> memref<128xi32, #tpu.memory_space<vmem>>
      %dma_start3A_122 = arith.constant 0 : i32
      %dma_start3A_123 = tpu.memref_slice %arg8[%dma_start3A_122] : memref<1024xf32, #tpu.memory_space<vmem_shared>> -> memref<1024xf32, #tpu.memory_space<vmem_shared>>
      tpu.enqueue_indirect_dma source(%dma_start3A_118 : memref<128xf32, #tpu.memory_space<vmem>>) target(%dma_start3A_123 : memref<1024xf32, #tpu.memory_space<vmem_shared>>) offsets(%dma_start3A_121 : memref<128xi32, #tpu.memory_space<vmem>>) semaphore(%arg9 : memref<!tpu.dma_semaphore, #tpu.memory_space<semaphore_mem>>) {add = true}
      %add3A_124 = arith.constant 9 : i32
      %add3A_125 = arith.addi %mul3A_16, %add3A_124 : i32
      %add3A_126 = arith.constant 9 : i32
      %add3A_127 = arith.addi %mul3A_16, %add3A_126 : i32
      %dma_start3A_128 = arith.constant 0 : i32
      %dma_start3A_129 = tpu.memref_slice %arg6[%add3A_125, %dma_start3A_128] : memref<80x128xf32, #tpu.memory_space<vmem>> -> memref<1x128xf32, #tpu.memory_space<vmem>>
      %dma_start3A_130 = tpu.memref_squeeze %dma_start3A_129 : memref<1x128xf32, #tpu.memory_space<vmem>> -> memref<128xf32, #tpu.memory_space<vmem>>
      %dma_start3A_131 = arith.constant 0 : i32
      %dma_start3A_132 = tpu.memref_slice %arg7[%add3A_127, %dma_start3A_131] : memref<80x128xi32, #tpu.memory_space<vmem>> -> memref<1x128xi32, #tpu.memory_space<vmem>>
      %dma_start3A_133 = tpu.memref_squeeze %dma_start3A_132 : memref<1x128xi32, #tpu.memory_space<vmem>> -> memref<128xi32, #tpu.memory_space<vmem>>
      %dma_start3A_134 = arith.constant 0 : i32
      %dma_start3A_135 = tpu.memref_slice %arg8[%dma_start3A_134] : memref<1024xf32, #tpu.memory_space<vmem_shared>> -> memref<1024xf32, #tpu.memory_space<vmem_shared>>
      tpu.enqueue_indirect_dma source(%dma_start3A_130 : memref<128xf32, #tpu.memory_space<vmem>>) target(%dma_start3A_135 : memref<1024xf32, #tpu.memory_space<vmem_shared>>) offsets(%dma_start3A_133 : memref<128xi32, #tpu.memory_space<vmem>>) semaphore(%arg9 : memref<!tpu.dma_semaphore, #tpu.memory_space<semaphore_mem>>) {add = true}
      %dma_wait3A = arith.constant 0 : i32
      %dma_wait3A_136 = tpu.memref_slice %arg6[%add3A_18, %dma_wait3A] : memref<80x128xf32, #tpu.memory_space<vmem>> -> memref<1x128xf32, #tpu.memory_space<vmem>>
      %dma_wait3A_137 = tpu.memref_squeeze %dma_wait3A_136 : memref<1x128xf32, #tpu.memory_space<vmem>> -> memref<128xf32, #tpu.memory_space<vmem>>
      %dma_wait3A_138 = arith.constant 0 : i32
      %dma_wait3A_139 = tpu.memref_slice %arg7[%add3A_20, %dma_wait3A_138] : memref<80x128xi32, #tpu.memory_space<vmem>> -> memref<1x128xi32, #tpu.memory_space<vmem>>
      %dma_wait3A_140 = tpu.memref_squeeze %dma_wait3A_139 : memref<1x128xi32, #tpu.memory_space<vmem>> -> memref<128xi32, #tpu.memory_space<vmem>>
      %dma_wait3A_141 = arith.constant 0 : i32
      %dma_wait3A_142 = tpu.memref_slice %arg8[%dma_wait3A_141] : memref<1024xf32, #tpu.memory_space<vmem_shared>> -> memref<1024xf32, #tpu.memory_space<vmem_shared>>
      tpu.wait_indirect_dma semaphore(%arg9 : memref<!tpu.dma_semaphore, #tpu.memory_space<semaphore_mem>>) src(%dma_wait3A_137 : memref<128xf32, #tpu.memory_space<vmem>>) dst(%dma_wait3A_142 : memref<1024xf32, #tpu.memory_space<vmem_shared>>)
      %dma_wait3A_143 = arith.constant 0 : i32
      %dma_wait3A_144 = tpu.memref_slice %arg6[%add3A_29, %dma_wait3A_143] : memref<80x128xf32, #tpu.memory_space<vmem>> -> memref<1x128xf32, #tpu.memory_space<vmem>>
      %dma_wait3A_145 = tpu.memref_squeeze %dma_wait3A_144 : memref<1x128xf32, #tpu.memory_space<vmem>> -> memref<128xf32, #tpu.memory_space<vmem>>
      %dma_wait3A_146 = arith.constant 0 : i32
      %dma_wait3A_147 = tpu.memref_slice %arg7[%add3A_31, %dma_wait3A_146] : memref<80x128xi32, #tpu.memory_space<vmem>> -> memref<1x128xi32, #tpu.memory_space<vmem>>
      %dma_wait3A_148 = tpu.memref_squeeze %dma_wait3A_147 : memref<1x128xi32, #tpu.memory_space<vmem>> -> memref<128xi32, #tpu.memory_space<vmem>>
      %dma_wait3A_149 = arith.constant 0 : i32
      %dma_wait3A_150 = tpu.memref_slice %arg8[%dma_wait3A_149] : memref<1024xf32, #tpu.memory_space<vmem_shared>> -> memref<1024xf32, #tpu.memory_space<vmem_shared>>
      tpu.wait_indirect_dma semaphore(%arg9 : memref<!tpu.dma_semaphore, #tpu.memory_space<semaphore_mem>>) src(%dma_wait3A_145 : memref<128xf32, #tpu.memory_space<vmem>>) dst(%dma_wait3A_150 : memref<1024xf32, #tpu.memory_space<vmem_shared>>)
      %dma_wait3A_151 = arith.constant 0 : i32
      %dma_wait3A_152 = tpu.memref_slice %arg6[%add3A_41, %dma_wait3A_151] : memref<80x128xf32, #tpu.memory_space<vmem>> -> memref<1x128xf32, #tpu.memory_space<vmem>>
      %dma_wait3A_153 = tpu.memref_squeeze %dma_wait3A_152 : memref<1x128xf32, #tpu.memory_space<vmem>> -> memref<128xf32, #tpu.memory_space<vmem>>
      %dma_wait3A_154 = arith.constant 0 : i32
      %dma_wait3A_155 = tpu.memref_slice %arg7[%add3A_43, %dma_wait3A_154] : memref<80x128xi32, #tpu.memory_space<vmem>> -> memref<1x128xi32, #tpu.memory_space<vmem>>
      %dma_wait3A_156 = tpu.memref_squeeze %dma_wait3A_155 : memref<1x128xi32, #tpu.memory_space<vmem>> -> memref<128xi32, #tpu.memory_space<vmem>>
      %dma_wait3A_157 = arith.constant 0 : i32
      %dma_wait3A_158 = tpu.memref_slice %arg8[%dma_wait3A_157] : memref<1024xf32, #tpu.memory_space<vmem_shared>> -> memref<1024xf32, #tpu.memory_space<vmem_shared>>
      tpu.wait_indirect_dma semaphore(%arg9 : memref<!tpu.dma_semaphore, #tpu.memory_space<semaphore_mem>>) src(%dma_wait3A_153 : memref<128xf32, #tpu.memory_space<vmem>>) dst(%dma_wait3A_158 : memref<1024xf32, #tpu.memory_space<vmem_shared>>)
      %dma_wait3A_159 = arith.constant 0 : i32
      %dma_wait3A_160 = tpu.memref_slice %arg6[%add3A_53, %dma_wait3A_159] : memref<80x128xf32, #tpu.memory_space<vmem>> -> memref<1x128xf32, #tpu.memory_space<vmem>>
      %dma_wait3A_161 = tpu.memref_squeeze %dma_wait3A_160 : memref<1x128xf32, #tpu.memory_space<vmem>> -> memref<128xf32, #tpu.memory_space<vmem>>
      %dma_wait3A_162 = arith.constant 0 : i32
      %dma_wait3A_163 = tpu.memref_slice %arg7[%add3A_55, %dma_wait3A_162] : memref<80x128xi32, #tpu.memory_space<vmem>> -> memref<1x128xi32, #tpu.memory_space<vmem>>
      %dma_wait3A_164 = tpu.memref_squeeze %dma_wait3A_163 : memref<1x128xi32, #tpu.memory_space<vmem>> -> memref<128xi32, #tpu.memory_space<vmem>>
      %dma_wait3A_165 = arith.constant 0 : i32
      %dma_wait3A_166 = tpu.memref_slice %arg8[%dma_wait3A_165] : memref<1024xf32, #tpu.memory_space<vmem_shared>> -> memref<1024xf32, #tpu.memory_space<vmem_shared>>
      tpu.wait_indirect_dma semaphore(%arg9 : memref<!tpu.dma_semaphore, #tpu.memory_space<semaphore_mem>>) src(%dma_wait3A_161 : memref<128xf32, #tpu.memory_space<vmem>>) dst(%dma_wait3A_166 : memref<1024xf32, #tpu.memory_space<vmem_shared>>)
      %dma_wait3A_167 = arith.constant 0 : i32
      %dma_wait3A_168 = tpu.memref_slice %arg6[%add3A_65, %dma_wait3A_167] : memref<80x128xf32, #tpu.memory_space<vmem>> -> memref<1x128xf32, #tpu.memory_space<vmem>>
      %dma_wait3A_169 = tpu.memref_squeeze %dma_wait3A_168 : memref<1x128xf32, #tpu.memory_space<vmem>> -> memref<128xf32, #tpu.memory_space<vmem>>
      %dma_wait3A_170 = arith.constant 0 : i32
      %dma_wait3A_171 = tpu.memref_slice %arg7[%add3A_67, %dma_wait3A_170] : memref<80x128xi32, #tpu.memory_space<vmem>> -> memref<1x128xi32, #tpu.memory_space<vmem>>
      %dma_wait3A_172 = tpu.memref_squeeze %dma_wait3A_171 : memref<1x128xi32, #tpu.memory_space<vmem>> -> memref<128xi32, #tpu.memory_space<vmem>>
      %dma_wait3A_173 = arith.constant 0 : i32
      %dma_wait3A_174 = tpu.memref_slice %arg8[%dma_wait3A_173] : memref<1024xf32, #tpu.memory_space<vmem_shared>> -> memref<1024xf32, #tpu.memory_space<vmem_shared>>
      tpu.wait_indirect_dma semaphore(%arg9 : memref<!tpu.dma_semaphore, #tpu.memory_space<semaphore_mem>>) src(%dma_wait3A_169 : memref<128xf32, #tpu.memory_space<vmem>>) dst(%dma_wait3A_174 : memref<1024xf32, #tpu.memory_space<vmem_shared>>)
      %dma_wait3A_175 = arith.constant 0 : i32
      %dma_wait3A_176 = tpu.memref_slice %arg6[%add3A_77, %dma_wait3A_175] : memref<80x128xf32, #tpu.memory_space<vmem>> -> memref<1x128xf32, #tpu.memory_space<vmem>>
      %dma_wait3A_177 = tpu.memref_squeeze %dma_wait3A_176 : memref<1x128xf32, #tpu.memory_space<vmem>> -> memref<128xf32, #tpu.memory_space<vmem>>
      %dma_wait3A_178 = arith.constant 0 : i32
      %dma_wait3A_179 = tpu.memref_slice %arg7[%add3A_79, %dma_wait3A_178] : memref<80x128xi32, #tpu.memory_space<vmem>> -> memref<1x128xi32, #tpu.memory_space<vmem>>
      %dma_wait3A_180 = tpu.memref_squeeze %dma_wait3A_179 : memref<1x128xi32, #tpu.memory_space<vmem>> -> memref<128xi32, #tpu.memory_space<vmem>>
      %dma_wait3A_181 = arith.constant 0 : i32
      %dma_wait3A_182 = tpu.memref_slice %arg8[%dma_wait3A_181] : memref<1024xf32, #tpu.memory_space<vmem_shared>> -> memref<1024xf32, #tpu.memory_space<vmem_shared>>
      tpu.wait_indirect_dma semaphore(%arg9 : memref<!tpu.dma_semaphore, #tpu.memory_space<semaphore_mem>>) src(%dma_wait3A_177 : memref<128xf32, #tpu.memory_space<vmem>>) dst(%dma_wait3A_182 : memref<1024xf32, #tpu.memory_space<vmem_shared>>)
      %dma_wait3A_183 = arith.constant 0 : i32
      %dma_wait3A_184 = tpu.memref_slice %arg6[%add3A_89, %dma_wait3A_183] : memref<80x128xf32, #tpu.memory_space<vmem>> -> memref<1x128xf32, #tpu.memory_space<vmem>>
      %dma_wait3A_185 = tpu.memref_squeeze %dma_wait3A_184 : memref<1x128xf32, #tpu.memory_space<vmem>> -> memref<128xf32, #tpu.memory_space<vmem>>
      %dma_wait3A_186 = arith.constant 0 : i32
      %dma_wait3A_187 = tpu.memref_slice %arg7[%add3A_91, %dma_wait3A_186] : memref<80x128xi32, #tpu.memory_space<vmem>> -> memref<1x128xi32, #tpu.memory_space<vmem>>
      %dma_wait3A_188 = tpu.memref_squeeze %dma_wait3A_187 : memref<1x128xi32, #tpu.memory_space<vmem>> -> memref<128xi32, #tpu.memory_space<vmem>>
      %dma_wait3A_189 = arith.constant 0 : i32
      %dma_wait3A_190 = tpu.memref_slice %arg8[%dma_wait3A_189] : memref<1024xf32, #tpu.memory_space<vmem_shared>> -> memref<1024xf32, #tpu.memory_space<vmem_shared>>
      tpu.wait_indirect_dma semaphore(%arg9 : memref<!tpu.dma_semaphore, #tpu.memory_space<semaphore_mem>>) src(%dma_wait3A_185 : memref<128xf32, #tpu.memory_space<vmem>>) dst(%dma_wait3A_190 : memref<1024xf32, #tpu.memory_space<vmem_shared>>)
      %dma_wait3A_191 = arith.constant 0 : i32
      %dma_wait3A_192 = tpu.memref_slice %arg6[%add3A_101, %dma_wait3A_191] : memref<80x128xf32, #tpu.memory_space<vmem>> -> memref<1x128xf32, #tpu.memory_space<vmem>>
      %dma_wait3A_193 = tpu.memref_squeeze %dma_wait3A_192 : memref<1x128xf32, #tpu.memory_space<vmem>> -> memref<128xf32, #tpu.memory_space<vmem>>
      %dma_wait3A_194 = arith.constant 0 : i32
      %dma_wait3A_195 = tpu.memref_slice %arg7[%add3A_103, %dma_wait3A_194] : memref<80x128xi32, #tpu.memory_space<vmem>> -> memref<1x128xi32, #tpu.memory_space<vmem>>
      %dma_wait3A_196 = tpu.memref_squeeze %dma_wait3A_195 : memref<1x128xi32, #tpu.memory_space<vmem>> -> memref<128xi32, #tpu.memory_space<vmem>>
      %dma_wait3A_197 = arith.constant 0 : i32
      %dma_wait3A_198 = tpu.memref_slice %arg8[%dma_wait3A_197] : memref<1024xf32, #tpu.memory_space<vmem_shared>> -> memref<1024xf32, #tpu.memory_space<vmem_shared>>
      tpu.wait_indirect_dma semaphore(%arg9 : memref<!tpu.dma_semaphore, #tpu.memory_space<semaphore_mem>>) src(%dma_wait3A_193 : memref<128xf32, #tpu.memory_space<vmem>>) dst(%dma_wait3A_198 : memref<1024xf32, #tpu.memory_space<vmem_shared>>)
      %dma_wait3A_199 = arith.constant 0 : i32
      %dma_wait3A_200 = tpu.memref_slice %arg6[%add3A_113, %dma_wait3A_199] : memref<80x128xf32, #tpu.memory_space<vmem>> -> memref<1x128xf32, #tpu.memory_space<vmem>>
      %dma_wait3A_201 = tpu.memref_squeeze %dma_wait3A_200 : memref<1x128xf32, #tpu.memory_space<vmem>> -> memref<128xf32, #tpu.memory_space<vmem>>
      %dma_wait3A_202 = arith.constant 0 : i32
      %dma_wait3A_203 = tpu.memref_slice %arg7[%add3A_115, %dma_wait3A_202] : memref<80x128xi32, #tpu.memory_space<vmem>> -> memref<1x128xi32, #tpu.memory_space<vmem>>
      %dma_wait3A_204 = tpu.memref_squeeze %dma_wait3A_203 : memref<1x128xi32, #tpu.memory_space<vmem>> -> memref<128xi32, #tpu.memory_space<vmem>>
      %dma_wait3A_205 = arith.constant 0 : i32
      %dma_wait3A_206 = tpu.memref_slice %arg8[%dma_wait3A_205] : memref<1024xf32, #tpu.memory_space<vmem_shared>> -> memref<1024xf32, #tpu.memory_space<vmem_shared>>
      tpu.wait_indirect_dma semaphore(%arg9 : memref<!tpu.dma_semaphore, #tpu.memory_space<semaphore_mem>>) src(%dma_wait3A_201 : memref<128xf32, #tpu.memory_space<vmem>>) dst(%dma_wait3A_206 : memref<1024xf32, #tpu.memory_space<vmem_shared>>)
      %dma_wait3A_207 = arith.constant 0 : i32
      %dma_wait3A_208 = tpu.memref_slice %arg6[%add3A_125, %dma_wait3A_207] : memref<80x128xf32, #tpu.memory_space<vmem>> -> memref<1x128xf32, #tpu.memory_space<vmem>>
      %dma_wait3A_209 = tpu.memref_squeeze %dma_wait3A_208 : memref<1x128xf32, #tpu.memory_space<vmem>> -> memref<128xf32, #tpu.memory_space<vmem>>
      %dma_wait3A_210 = arith.constant 0 : i32
      %dma_wait3A_211 = tpu.memref_slice %arg7[%add3A_127, %dma_wait3A_210] : memref<80x128xi32, #tpu.memory_space<vmem>> -> memref<1x128xi32, #tpu.memory_space<vmem>>
      %dma_wait3A_212 = tpu.memref_squeeze %dma_wait3A_211 : memref<1x128xi32, #tpu.memory_space<vmem>> -> memref<128xi32, #tpu.memory_space<vmem>>
      %dma_wait3A_213 = arith.constant 0 : i32
      %dma_wait3A_214 = tpu.memref_slice %arg8[%dma_wait3A_213] : memref<1024xf32, #tpu.memory_space<vmem_shared>> -> memref<1024xf32, #tpu.memory_space<vmem_shared>>
      tpu.wait_indirect_dma semaphore(%arg9 : memref<!tpu.dma_semaphore, #tpu.memory_space<semaphore_mem>>) src(%dma_wait3A_209 : memref<128xf32, #tpu.memory_space<vmem>>) dst(%dma_wait3A_214 : memref<1024xf32, #tpu.memory_space<vmem_shared>>)
    }
    %scan3A_7 = arith.constant 8 : i32
    %barrier3A_8 = arith.constant 0 : index
    tpu.barrier barrier_id(%barrier3A_8)
    %eq3A_9 = arith.constant 0 : i32
    %eq3A_10 = arith.cmpi eq, %arg1, %eq3A_9 : i32
    %convert_element_type3A_11 = arith.extui %eq3A_10 : i1 to i32
    %cond3A_12 = arith.constant 0 : i32
    %cond3A_13 = arith.cmpi ne, %convert_element_type3A_11, %cond3A_12 : i32
    scf.if %cond3A_13 {
      "tpu.region"() ({
        %run_scoped3A = tpu.sem_alloc : memref<!tpu.dma_semaphore, #tpu.memory_space<semaphore_mem>>
        %dma_start3A = arith.constant 0 : i32
        %dma_start3A_14 = tpu.memref_slice %arg5[%arg0, %dma_start3A] : memref<2x1024xf32, #tpu.memory_space<hbm>> -> memref<1x1024xf32, #tpu.memory_space<hbm>>
        %dma_start3A_15 = tpu.memref_squeeze %dma_start3A_14 : memref<1x1024xf32, #tpu.memory_space<hbm>> -> memref<1024xf32, #tpu.memory_space<hbm>>
        tpu.enqueue_dma source(%arg8 : memref<1024xf32, #tpu.memory_space<vmem_shared>>) target(%dma_start3A_15 : memref<1024xf32, #tpu.memory_space<hbm>>) target_semaphore(%run_scoped3A : memref<!tpu.dma_semaphore, #tpu.memory_space<semaphore_mem>>)
        %dma_wait3A = arith.constant 0 : i32
        %dma_wait3A_16 = tpu.memref_slice %arg5[%arg0, %dma_wait3A] : memref<2x1024xf32, #tpu.memory_space<hbm>> -> memref<1x1024xf32, #tpu.memory_space<hbm>>
        %dma_wait3A_17 = tpu.memref_squeeze %dma_wait3A_16 : memref<1x1024xf32, #tpu.memory_space<hbm>> -> memref<1024xf32, #tpu.memory_space<hbm>>
        tpu.wait_dma2 semaphore(%run_scoped3A : memref<!tpu.dma_semaphore, #tpu.memory_space<semaphore_mem>>) src(%arg8 : memref<1024xf32, #tpu.memory_space<vmem_shared>>) dst(%dma_wait3A_17 : memref<1024xf32, #tpu.memory_space<hbm>>)
        tpu.yield
      }) : () -> ()
    } else {
    }
    return
  }
}

module attributes {stable_mosaic.version = 14 : i64} {
  func.func @_mlp_body(%arg0: i32, %arg1: memref<20480x128xf32, #tpu.memory_space<vmem>>, %arg2: memref<128x64xf32, #tpu.memory_space<vmem>>, %arg3: memref<1x64xf32, #tpu.memory_space<vmem>>, %arg4: memref<1x64xf32, #tpu.memory_space<vmem>>, %arg5: memref<1x1xf32, #tpu.memory_space<vmem>>, %arg6: memref<160x128xf32, #tpu.memory_space<vmem>>) attributes {dimension_semantics = [#tpu.dimension_semantics<arbitrary>], iteration_bounds = array<i64: 16>, scalar_prefetch = 0 : i64, scratch_operands = 0 : i64, tpu.core_type = #tpu.core_type<tc>, window_params = [{transform_indices = @transform_0, window_bounds = array<i64: 20480, 128>}, {pipeline_mode = #tpu.pipeline_mode<synchronous>, transform_indices = @transform_1, window_bounds = array<i64: 128, 64>}, {pipeline_mode = #tpu.pipeline_mode<synchronous>, transform_indices = @transform_2, window_bounds = array<i64: 1, 64>}, {pipeline_mode = #tpu.pipeline_mode<synchronous>, transform_indices = @transform_3, window_bounds = array<i64: 1, 64>}, {pipeline_mode = #tpu.pipeline_mode<synchronous>, transform_indices = @transform_4, window_bounds = array<i64: 1, 1>}, {transform_indices = @transform_5, window_bounds = array<i64: 160, 128>}]} {
    %get3A = arith.constant 0 : index
    %get3A_0 = arith.constant 0 : index
    %get3A_1 = vector.load %arg1[%get3A, %get3A_0] : memref<20480x128xf32, #tpu.memory_space<vmem>>, vector<20480x128xf32>
    %get3A_2 = arith.constant 0 : index
    %get3A_3 = arith.constant 0 : index
    %get3A_4 = vector.load %arg2[%get3A_2, %get3A_3] : memref<128x64xf32, #tpu.memory_space<vmem>>, vector<128x64xf32>
    %dot_general3A = arith.constant dense<0.000000e+00> : vector<20480x64xf32>
    %dot_general3A_5 = tpu.matmul %get3A_1, %get3A_4, %dot_general3A {dimension_numbers = #tpu.dot_dimension_numbers<[1], [0], [0], [1], [0, 0, 1, 1], [], []>, transpose_lhs_hint = false} : vector<20480x128xf32>, vector<128x64xf32>, vector<20480x64xf32> -> vector<20480x64xf32>
    %get3A_6 = arith.constant 0 : index
    %get3A_7 = arith.constant 0 : index
    %get3A_8 = vector.load %arg3[%get3A_6, %get3A_7] : memref<1x64xf32, #tpu.memory_space<vmem>>, vector<1x64xf32>
    %add3A = vector.broadcast %get3A_8 : vector<1x64xf32> to vector<20480x64xf32>
    %add3A_9 = arith.addf %dot_general3A_5, %add3A : vector<20480x64xf32>
    %logistic3A = arith.negf %add3A_9 : vector<20480x64xf32>
    %logistic3A_10 = math.exp %logistic3A : vector<20480x64xf32>
    %logistic3A_11 = arith.constant 1.000000e+00 : f32
    %logistic3A_12 = vector.broadcast %logistic3A_11 : f32 to vector<20480x64xf32>
    %logistic3A_13 = arith.addf %logistic3A_12, %logistic3A_10 : vector<20480x64xf32>
    %logistic3A_14 = arith.divf %logistic3A_12, %logistic3A_13 : vector<20480x64xf32>
    %mul3A = arith.mulf %add3A_9, %logistic3A_14 : vector<20480x64xf32>
    %get3A_15 = arith.constant 0 : index
    %get3A_16 = arith.constant 0 : index
    %get3A_17 = vector.load %arg4[%get3A_15, %get3A_16] : memref<1x64xf32, #tpu.memory_space<vmem>>, vector<1x64xf32>
    %mul3A_18 = vector.broadcast %get3A_17 : vector<1x64xf32> to vector<20480x64xf32>
    %mul3A_19 = arith.mulf %mul3A, %mul3A_18 : vector<20480x64xf32>
    %reduce_sum3A = arith.constant dense<0.000000e+00> : vector<20480xf32>
    %reduce_sum3A_20 = vector.multi_reduction <add>, %mul3A_19, %reduce_sum3A [1] : vector<20480x64xf32> to vector<20480xf32>
    %get3A_21 = arith.constant 0 : index
    %get3A_22 = arith.constant 0 : index
    %get3A_23 = vector.load %arg5[%get3A_21, %get3A_22] : memref<1x1xf32, #tpu.memory_space<vmem>>, vector<1x1xf32>
    %get3A_24 = vector.extract %get3A_23[0, 0] : f32 from vector<1x1xf32>
    %add3A_25 = vector.broadcast %get3A_24 : f32 to vector<20480xf32>
    %add3A_26 = arith.addf %reduce_sum3A_20, %add3A_25 : vector<20480xf32>
    %reshape3A = vector.shape_cast %add3A_26 : vector<20480xf32> to vector<160x128xf32>
    %iota3A = tpu.iota {dimensions = array<i32: 0>} : vector<160x128xi32>
    %iota3A_27 = tpu.iota {dimensions = array<i32: 1>} : vector<160x128xi32>
    %mul3A_28 = arith.constant 20480 : i32
    %mul3A_29 = arith.muli %arg0, %mul3A_28 : i32
    %mul3A_30 = arith.constant 128 : i32
    %mul3A_31 = vector.broadcast %mul3A_30 : i32 to vector<160x128xi32>
    %mul3A_32 = arith.muli %iota3A, %mul3A_31 : vector<160x128xi32>
    %add3A_33 = vector.broadcast %mul3A_29 : i32 to vector<160x128xi32>
    %add3A_34 = arith.addi %add3A_33, %mul3A_32 : vector<160x128xi32>
    %add3A_35 = arith.addi %add3A_34, %iota3A_27 : vector<160x128xi32>
    %lt3A = arith.constant 320000 : i32
    %lt3A_36 = vector.broadcast %lt3A : i32 to vector<160x128xi32>
    %lt3A_37 = arith.cmpi slt, %add3A_35, %lt3A_36 : vector<160x128xi32>
    %jit3A = arith.constant 0.000000e+00 : f32
    %broadcast_in_dim3A = vector.broadcast %jit3A : f32 to vector<160x128xf32>
    %select_n3A = arith.select %lt3A_37, %reshape3A, %broadcast_in_dim3A : vector<160x128xi1>, vector<160x128xf32>
    %swap3A = arith.constant 0 : index
    %swap3A_38 = arith.constant 0 : index
    %swap3A_39 = vector.load %arg6[%swap3A, %swap3A_38] : memref<160x128xf32, #tpu.memory_space<vmem>>, vector<160x128xf32>
    tpu.vector_store %arg6[%swap3A, %swap3A_38], %select_n3A {strides = array<i32>} : memref<160x128xf32, #tpu.memory_space<vmem>>, vector<160x128xf32>,
    return
  }
  func.func @transform_0(%arg0: i32) -> (i32, i32) {
    %c0_i32 = arith.constant 0 : i32
    %c0_i32_0 = arith.constant 0 : i32
    return %arg0, %c0_i32 : i32, i32
  }
  func.func @transform_1(%arg0: i32) -> (i32, i32) {
    %c0_i32 = arith.constant 0 : i32
    %c0_i32_0 = arith.constant 0 : i32
    %c0_i32_1 = arith.constant 0 : i32
    return %c0_i32, %c0_i32_0 : i32, i32
  }
  func.func @transform_2(%arg0: i32) -> (i32, i32) {
    %c0_i32 = arith.constant 0 : i32
    %c0_i32_0 = arith.constant 0 : i32
    %c0_i32_1 = arith.constant 0 : i32
    return %c0_i32, %c0_i32_0 : i32, i32
  }
  func.func @transform_3(%arg0: i32) -> (i32, i32) {
    %c0_i32 = arith.constant 0 : i32
    %c0_i32_0 = arith.constant 0 : i32
    %c0_i32_1 = arith.constant 0 : i32
    return %c0_i32, %c0_i32_0 : i32, i32
  }
  func.func @transform_4(%arg0: i32) -> (i32, i32) {
    %c0_i32 = arith.constant 0 : i32
    %c0_i32_0 = arith.constant 0 : i32
    %c0_i32_1 = arith.constant 0 : i32
    return %c0_i32, %c0_i32_0 : i32, i32
  }
  func.func @transform_5(%arg0: i32) -> (i32, i32) {
    %c0_i32 = arith.constant 0 : i32
    %c0_i32_0 = arith.constant 0 : i32
    return %arg0, %c0_i32 : i32, i32
  }
}

</mosaic_0001>

<sc_bundles>
// kernel: kernel.4.cloned.1.call-start
scs
__scs_entry_jumppad:
0x0: {  	(pc) =	sbr.rel $0x88, $3  }
0x1: {  	(tag) =	ssettag $0x0;
	lr =	simm.s32 $0x1  }
0x2: {  	[smem:$0x3F9B] =	sst lr;
	_ =	strace $0xD0000000  }
0x3: {  	_ = 	snop  }
0x4: {  	_ = 	snop  }
0x5: {  	_ = 	snop  }
0x6: {  	_ = 	snop  }
0x7: {  	_ = 	snop  }
__scs_overlays_trampoline_lowered:
0x8: {  	[smem:$0x3FAA] =	sst s0  }
0x9: {  	[smem:$0x3FAB] =	sst s1  }
0xa: {  	[smem:$0x3FAC] =	sst s2  }
0xb: {  	[smem:$0x3FAD] =	sst s3  }
0xc: {  	[smem:$0x3FAE] =	sst s4  }
0xd: {  	[smem:$0x3FAF] =	sst s5  }
0xe: {  	[smem:$0x3FB0] =	sst s6  }
0xf: {  	[smem:$0x3FB1] =	sst s7  }
0x10: {  	[smem:$0x3FB2] =	sst s8  }
0x11: {  	[smem:$0x3FB3] =	sst s9;
	s0 =	simm.s32 @!p0 $0x0  }
0x12: {  	s1 =	sld [smem:$0x3F99];
	s0 =	simm.s32 @p0 $0x1  }
0x13: {  	[smem:$0x3FB4] =	sst s0;
	s0 =	simm.s32 @!p1 $0x0  }
0x14: {  	s2 =	sld [smem:$0x3F98];
	s0 =	simm.s32 @p1 $0x1  }
0x15: {  	[smem:$0x3FB5] =	sst s0;
	s0 =	simm.s32 @!p2 $0x0  }
0x16: {  	s3 =	sld [smem:$0x3FDB];
	s0 =	simm.s32 @p2 $0x1  }
0x17: {  	s4 =	simm.s32 $0x1BF5;
	[smem:$0x3FB7] =	sst s0  }
0x18: {  	s0 =	sld [smem:$0x3F9A];
	_ =	swait.ge [sflag:s4], $0x0  }
0x19: {  	s7 =	sld [smem:$0x3F9B]  }
0x1a: {  	s8 =	sadd.s32 $0xFFFFE003, lr  }
0x1b: {  	s9 =	sadd.s32 $0xFFFFFEF7, lr;
	s5 =	simm.s32 $0xFFFFFFFF;
	p2 =	slt.u32 s8, $0xFFFFF086  }
0x1c: {  	p1 =	slt.u32 s9, $0xF7A;
	s5 =	simm.s32 @!p2 $0x0  }
0x1d: {  	s5 =	simm.s32 @p1 $0x1;
	p0 =	seq.s32 s7, s2  }
0x1e: {  	s7 =	smul.u32 @!p0 $0xF7A, s2;
	p2 =	seq.s32 @!p0 s5, $0x0  }
0x1f: {  	s9 =	smul.u32 $0xF7A, s1;
	s8 =	simm.s32 @!p0 $0x1BF5;
	p2 =	por !p2, p0  }
0x20: {  	[sflag:s8] =	ssyncset.s32 @!p0 $0xFFFFF086;
	s6 =	sadd.s32 @!p0 s3, s7;
	s7 =	simm.s32 @!p0 $0x108  }
0x21: {  	s3 =	sadd.s32 s3, s9;
	s6 =	sadd.s32 @!p0 $0x88, s6;
	s7 =	simm.s32 @p2 $0x1082  }
0x22: {  	[simem:s7], [sflag:s8] =	dma.local @!p0 [hbm:s6], $0xF7A  }
0x23: {  	s9 =	sor.u32 $0xD0000000, s2;
	s6 =	simm.s32 $0x108;
	_ =	swait.ge @!p0 [sflag:s8], $0x0  }
0x24: {  	s3 =	sadd.s32 $0x88, s3;
	s6 =	simm.s32 @!p1 $0x1082;
	[sflag:s4] =	ssyncset.s32 $0xFFFFF086  }
0x25: {  	[simem:s6], [sflag:s4] =	dma.local [hbm:s3], $0xF7A  }
0x26: {  	[smem:$0x3F9B] =	sst s1;
	(tag) =	ssettag s2;
	_ =	strace s9  }
0x27: {  	s1 =	sld [smem:$0x3FAB]  }
0x28: {  	s2 =	sld [smem:$0x3FAC]  }
0x29: {  	s4 =	sld [smem:$0x3FAE]  }
0x2a: {  	p0 =	seq.s32 s5, $0x0;
	s5 =	sld [smem:$0x3FAF]  }
0x2b: {  	s6 =	sld [smem:$0x3FB0]  }
0x2c: {  	s7 =	sld [smem:$0x3FB1]  }
0x2d: {  	s3 =	simm.s32 $0x108;
	s8 =	sld [smem:$0x3FB2]  }
0x2e: {  	s3 =	simm.s32 @!p0 $0x1082;
	s9 =	sld [smem:$0x3FB3]  }
0x2f: {  	lr =	sadd.s32 s0, s3;
	s0 =	sld [smem:$0x3FAA]  }
0x30: {  	s3 =	sld [smem:$0x3FAD]  }
0x31: {  	[smem:$0x3FB6] =	sst s10  }
0x32: {  	s10 =	sld [smem:$0x3FB4];
	_ =	sdelay $0x3  }
0x33: {  	p0 =	seq.s32 s10, $0x1;
	s10 =	sld [smem:$0x3FB6];
	_ =	sdelay $0x3  }
0x34: {  	[smem:$0x3FB6] =	sst s10  }
0x35: {  	s10 =	sld [smem:$0x3FB5];
	_ =	sdelay $0x3  }
0x36: {  	p1 =	seq.s32 s10, $0x1;
	s10 =	sld [smem:$0x3FB6];
	_ =	sdelay $0x3  }
0x37: {  	[smem:$0x3FB6] =	sst s10  }
0x38: {  	s10 =	sld [smem:$0x3FB7]  }
0x39: {  	_ = 	snop;
	(pc) =	sbr.ind lr, $3  }
0x3a: {  	_ = 	snop  }
0x3b: {  	_ = 	snop  }
0x3c: {  	p2 =	seq.s32 s10, $0x1;
	s10 =	sld [smem:$0x3FB6]  }
0x3d: {  	_ =	shalt  }
0x3e: {  	_ =	shalt  }
0x3f: {  	_ =	shalt  }
0x40: {  	_ =	shalt  }
0x41: {  	_ =	shalt  }
0x42: {  	_ =	shalt  }
0x43: {  	_ =	shalt  }
0x44: {  	_ =	shalt  }
0x45: {  	_ =	shalt  }
0x46: {  	_ =	shalt  }
0x47: {  	_ =	shalt  }
0x48: {  	_ =	shalt  }
0x49: {  	_ =	shalt  }
0x4a: {  	_ =	shalt  }
0x4b: {  	_ =	shalt  }
0x4c: {  	_ =	shalt  }
0x4d: {  	_ =	shalt  }
0x4e: {  	_ =	shalt  }
0x4f: {  	_ =	shalt  }
0x50: {  	_ =	shalt  }
0x51: {  	_ =	shalt  }
0x52: {  	_ =	shalt  }
0x53: {  	_ =	shalt  }
0x54: {  	_ =	shalt  }
0x55: {  	_ =	shalt  }
0x56: {  	_ =	shalt  }
0x57: {  	_ =	shalt  }
0x58: {  	_ =	shalt  }
0x59: {  	_ =	shalt  }
0x5a: {  	_ =	shalt  }
0x5b: {  	_ =	shalt  }
0x5c: {  	_ =	shalt  }
0x5d: {  	_ =	shalt  }
0x5e: {  	_ =	shalt  }
0x5f: {  	_ =	shalt  }
0x60: {  	_ =	shalt  }
0x61: {  	_ =	shalt  }
0x62: {  	_ =	shalt  }
0x63: {  	_ =	shalt  }
0x64: {  	_ =	shalt  }
0x65: {  	_ =	shalt  }
0x66: {  	_ =	shalt  }
0x67: {  	_ =	shalt  }
0x68: {  	_ =	shalt  }
0x69: {  	_ =	shalt  }
0x6a: {  	_ =	shalt  }
0x6b: {  	_ =	shalt  }
0x6c: {  	_ =	shalt  }
0x6d: {  	_ =	shalt  }
0x6e: {  	_ =	shalt  }
0x6f: {  	_ =	shalt  }
0x70: {  	_ =	shalt  }
0x71: {  	_ =	shalt  }
0x72: {  	_ =	shalt  }
0x73: {  	_ =	shalt  }
0x74: {  	_ =	shalt  }
0x75: {  	_ =	shalt  }
0x76: {  	_ =	shalt  }
0x77: {  	_ =	shalt  }
0x78: {  	_ =	shalt  }
0x79: {  	_ =	shalt  }
0x7a: {  	_ =	shalt  }
0x7b: {  	_ =	shalt  }
0x7c: {  	_ =	shalt  }
0x7d: {  	_ =	shalt  }
0x7e: {  	_ =	shalt  }
0x7f: {  	_ =	shalt  }
0x80: {  	_ =	shalt  }
0x81: {  	_ =	shalt  }
0x82: {  	_ =	shalt  }
0x83: {  	_ =	shalt  }
0x84: {  	_ =	shalt  }
0x85: {  	_ =	shalt  }
0x86: {  	_ =	shalt  }
0x87: {  	_ =	shalt  }
.Lfunc_end0:
.L_simem_size_0:
called_computation_lowered:
.L_overlay_start_0:
0x88: {  	s2 =	sld [smem:$0x3FD9]  }
0x89: {  	s3 =	sld [smem:$0x3FFE];
	_ =	sdelay $0x1  }
0x8a: {  	s1 =	srdreg.scid  }
0x8b: {  	s0 =	sand.u32 $0x1, s1  }
0x8c: {  	s17 =	sshll.u32 s0, $0xA;
	s2 =	sadd.s32 s3, s2  }
0x8d: {  	s2 =	sadd.s32 s2, s17  }
0x8e: {  	[smem:$0x3FC2] =	sst s2  }
0x8f: {  	_ = 	snop  }
0x90: {  	s2 =	sld [smem:$0x3FD0];
	(tm) =	ssettm $0x1  }
0x91: {  	s18 =	sld [smem:$0x3FFB];
	_ =	sdelay $0x3  }
0x92: {  	_ =	strace s18  }
0x93: {  	s3 =	sld [smem:$0x3FFC];
	_ =	sdelay $0x3  }
0x94: {  	_ =	strace s3  }
0x95: {  	s3 =	sld [smem:$0x3FFD];
	_ =	sdelay $0x3  }
0x96: {  	_ =	strace s3  }
0x97: {  	_ =	strace $0x8FFFFFFF  }
0x98: {  	s19 =	sld [smem:$0x3FDB];
	_ =	sdelay $0x1  }
0x99: {  	s4 =	simm.s32 $_scs_section_size  }
0x9a: {  	s5 =	simm.s32 $_size__tile_overlayer_lowered;
	s6 =	simm.s32 $_tile_overlayer_lowered  }
0x9b: {  	s22 =	simm.s32 $0x1BFF;
	s21 =	sshll.u32 s6, $0x1;
	s3 =	sadd.s32 s4, s19  }
0x9c: {  	s7 =	simm.s32 $0x0;
	s20 =	sshll.u32 s5, $0x1;
	s5 =	sadd.s32 s21, s3  }
0x9d: {  	[timem:s7], [sflag:s22] =	dma.local [hbm:s5], s20  }
0x9e: {  	_ =	swait.ge [sflag:s22], s20  }
0x9f: {  	s4 =	ssub.s32 $0x0, s20;
	[sflag:s22] =	ssyncset.done $0x0  }
0xa0: {  	[sflag:s22] =	ssyncadd.s32 s4;
	_ =	sdelay $0x1  }
0xa1: {  	s23 =	simm.s32 $0x1B8B  }
0xa2: {  	_ =	swait.ge [sflag:s23], $0x1  }
0xa3: {  	[sflag:s23] =	ssyncset.done $0x0  }
0xa4: {  	s25 =	simm.s32 $0x1B8E;
	s24 =	sld [smem:$0x3FFE];
	[sflag:s23] =	ssyncadd.s32 $0xFFFFFFFF  }
0xa5: {  	s26 =	simm.s32 $execute0_lowered;
	[smem:$0x3FD2] =	sst s25  }
0xa6: {  	s5 =	sshll.u32 s26, $0x1;
	_ =	strace $0x80000046;
	[dreg:$0x1] =	wrdreg $0xFFFFFFFF  }
0xa7: {  	s28 =	simm.s32 $_size_execute0_lowered;
	s3 =	sadd.s32 s3, s5;
	[dreg:$0x0] =	wrdreg $0x0  }
0xa8: {  	s5 =	sshll.u32 s28, $0x1;
	[dreg:$0x2] =	wrdreg s3  }
0xa9: {  	[dreg:$0x3] =	wrdreg s5  }
0xaa: {  	[dreg:$0x4] =	wrdreg $0xC0  }
0xab: {  	_ =	task [dreg:s7], $0x5FFFF  }
0xac: {  	[dreg:$0x1] =	wrdreg $0xFFFFFFFF  }
0xad: {  	[dreg:$0x0] =	wrdreg $0x60  }
0xae: {  	[dreg:$0x2] =	wrdreg s24  }
0xaf: {  	[dreg:$0x3] =	wrdreg s2  }
0xb0: {  	[dreg:$0x4] =	wrdreg $0x50000  }
0xb1: {  	[dreg:$0x5] =	wrdreg $0x9  }
0xb2: {  	_ =	task.clear_ibuf [dreg:s7], $0x6FFFF;
	_ =	strace $0x90000046  }
0xb3: {  	s29 =	simm.s32 $0x9;
	_ =	strace $0x80000048  }
0xb4: {  	_ =	swait.ge [sflag:s29], $0x1  }
0xb5: {  	[sflag:s29] =	ssyncadd.s32 $0xFFFFFFFF  }
0xb6: {  	_ =	strace $0x90000048  }
0xb7: {  	_ =	sfence  }
0xb8: {  	s30 =	sld [smem:$0x0];
	_ =	sdelay $0x2  }
0xb9: {  	s31 =	sshll.u32 s1, $0xD;
	s1 =	sshrl.u32 s1, $0x2  }
0xba: {  	s3 =	sand.u32 $0x4000, s31;
	s1 =	sadd.s32 s1, s30  }
0xbb: {  	s0 =	sor.u32 s3, s0;
	s1 =	sshll.u32 s1, $0x11  }
0xbc: {  	s0 =	sor.u32 s1, s0  }
0xbd: {  	s0 =	sadd.s32 $0x8F2B, s0  }
0xbe: {  	[sflag:s0] =	ssyncadd.remote.s32 $0x1  }
0xbf: {  	_ =	sfence.sel $0xFFFF  }
0xc0: {  	[dreg:$0x0] =	wrdreg $0xFFFFFFFF;
	(pc) =	sbr.abs _section_cstart, $3  }
0xc1: {  	[dreg:$0x1] =	wrdreg $0xFFFFFFFF  }
0xc2: {  	_ =	task.clear_ibuf [dreg:s7], $0x2FFFF;
	_ =	strace $0x9FFFFFFF  }
0xc3: {  	(tm) =	ssettm $0x7FFFFFFF  }
tec
execute0_lowered:
.L_overlay_start_1:
0x0: {  	(tag) =	ssettag $0x1  }
0x1: {  	s4 =	rddreg [dreg:$0x0]  }
0x2: {  	s0 =	rddreg [dreg:$0x1];
	s1 =	srdreg.scid  }
0x3: {  	s8 =	stileid.u32;
	s2 =	rddreg [dreg:$0x2];
	s3 =	simm.s32 $0x0  }
0x4: {  	s11 =	simm.s32 $0x80;
	s12 =	simm.s32 $0x1;
	s13 =	simm.s32 $0x0  }
0x5: {  	s5 =	sand.u32 $0x1, s1;
	s6 =	sshll.u32 s8, $0x1;
	s1 =	rddreg [dreg:$0x3]  }
0x6: {  	[smem:$0x7FF] =	sst s3;
	p0 =	sne.s32 s8, $0x0;
	s6 =	sor.u32 s5, s6  }
0x7: {  	s8 =	simm.s32 $0x2;
	_ =	strace $0x80000047;
	s6 =	smul.u32 $0x500, s6  }
0x8: {  	s7 =	sshll.u32 s5, $0x4;
	s5 =	ssub.s32 $0x2, s5;
	s10 =	sshrl.u32 @!p0 s2, $0x3  }
0x9: {  	s7 =	sadd.s32 s7, s4;
	s31 =	sshrl.u32 s5, $0x1;
	s6 =	sadd.s32 s6, s4  }
0xa: {  	s9 =	ssub.s32 s5, s31;
	s4 =	sadd.s32 $0xAA00, s6;
	s5 =	sadd.s32 $0xA00, s6  }
0xb: {  	s6 =	sadd.s32 $0x14A00, s7;
	s7 =	smax.u32 s9, $0x1;
	s9 =	simm.s32 $0x2800  }
.LBB2_1:
0xc: {  	[tilespmem:s3], [sflag:$0x2] =	stream.linear.gather [hbm4b:s4+s3], $0x2800, $0x38;
	[tilespmem:$0x5040] =	vst v63  }
0xd: {  	_ =	swait.ge [sflag:s8], $0x2800  }
0xe: {  	[sflag:s8] =	ssyncset.done $0x0  }
0xf: {  	[sflag:s8] =	ssyncadd.s32 $0xFFFFD800  }
0x10: {  	[tilespmem:s9], [sflag:$0x2] =	stream.linear.gather [hbm4b:s5+s3], $0x2800, $0x38;
	[tilespmem:$0x5040] =	vst v63  }
0x11: {  	_ =	swait.ge [sflag:s8], $0x2800  }
0x12: {  	[sflag:s8] =	ssyncset.done $0x0  }
0x13: {  	s14 =	simm.s32 @!p0 $0x1C02;
	[sflag:s8] =	ssyncadd.s32 $0xFFFFD800  }
0x14: {  	[spmem:s10], [sflag:s14] =	dma.local @!p0 [hbm:s0], $0x80  }
0x15: {  	s14 =	simm.s32 @!p0 $0x2  }
0x16: {  	_ =	swait.ge @!p0 [sflag:s14], $0x80  }
0x17: {  	[sflag:s14] =	ssyncset.done @!p0 $0x0  }
0x18: {  	[sflag:s14] =	ssyncadd.s32 @!p0 $0xFFFFFF80  }
0x19: {  	s29 =	simm.s32 $0x0;
	s15 =	simm.s32 $0x2800;
	[bflag:$0x0] =	sbarrier.arrive $0xFFFF  }
0x1a: {  	[spmem:s2] =	stream.indirect.scatter.add.f32 [tilespmem:s29], [sflag:$0x1], $0x1, s15, s11, $0xb8;
	[tilespmem:$0x5040] =	vst v63  }
0x1b: {  	s30 =	simm.s32 $0x80;
	s31 =	simm.s32 $0x2880  }
0x1c: {  	[spmem:s2] =	stream.indirect.scatter.add.f32 [tilespmem:s30], [sflag:$0x1], $0x1, s31, s11, $0xb8;
	[tilespmem:$0x5040] =	vst v63  }
0x1d: {  	s16 =	simm.s32 $0x2900;
	s15 =	simm.s32 $0x100  }
0x1e: {  	[spmem:s2] =	stream.indirect.scatter.add.f32 [tilespmem:s15], [sflag:$0x1], $0x1, s16, s11, $0xb8;
	[tilespmem:$0x5040] =	vst v63  }
0x1f: {  	s17 =	simm.s32 $0x180;
	s18 =	simm.s32 $0x2980  }
0x20: {  	[spmem:s2] =	stream.indirect.scatter.add.f32 [tilespmem:s17], [sflag:$0x1], $0x1, s18, s11, $0xb8;
	[tilespmem:$0x5040] =	vst v63  }
0x21: {  	s19 =	simm.s32 $0x200;
	s20 =	simm.s32 $0x2A00  }
0x22: {  	[spmem:s2] =	stream.indirect.scatter.add.f32 [tilespmem:s19], [sflag:$0x1], $0x1, s20, s11, $0xb8;
	[tilespmem:$0x5040] =	vst v63  }
0x23: {  	s21 =	simm.s32 $0x280;
	s22 =	simm.s32 $0x2A80  }
0x24: {  	[spmem:s2] =	stream.indirect.scatter.add.f32 [tilespmem:s21], [sflag:$0x1], $0x1, s22, s11, $0xb8;
	[tilespmem:$0x5040] =	vst v63  }
0x25: {  	s23 =	simm.s32 $0x300;
	s24 =	simm.s32 $0x2B00  }
0x26: {  	[spmem:s2] =	stream.indirect.scatter.add.f32 [tilespmem:s23], [sflag:$0x1], $0x1, s24, s11, $0xb8;
	[tilespmem:$0x5040] =	vst v63  }
0x27: {  	s25 =	simm.s32 $0x380;
	s26 =	simm.s32 $0x2B80  }
0x28: {  	[spmem:s2] =	stream.indirect.scatter.add.f32 [tilespmem:s25], [sflag:$0x1], $0x1, s26, s11, $0xb8;
	[tilespmem:$0x5040] =	vst v63  }
0x29: {  	s28 =	simm.s32 $0x400;
	s29 =	simm.s32 $0x2C00  }
0x2a: {  	[spmem:s2] =	stream.indirect.scatter.add.f32 [tilespmem:s28], [sflag:$0x1], $0x1, s29, s11, $0xb8;
	[tilespmem:$0x5040] =	vst v63  }
0x2b: {  	s30 =	simm.s32 $0x480;
	s31 =	simm.s32 $0x2C80  }
0x2c: {  	[spmem:s2] =	stream.indirect.scatter.add.f32 [tilespmem:s30], [sflag:$0x1], $0x1, s31, s11, $0xb8;
	[tilespmem:$0x5040] =	vst v63  }
0x2d: {  	_ =	swait.ge [sflag:s12], $0x80  }
0x2e: {  	[sflag:s12] =	ssyncset.done $0x0  }
0x2f: {  	[sflag:s12] =	ssyncadd.s32 $0xFFFFFF80  }
0x30: {  	_ =	swait.ge [sflag:s12], $0x80  }
0x31: {  	[sflag:s12] =	ssyncset.done $0x0  }
0x32: {  	[sflag:s12] =	ssyncadd.s32 $0xFFFFFF80  }
0x33: {  	_ =	swait.ge [sflag:s12], $0x80  }
0x34: {  	[sflag:s12] =	ssyncset.done $0x0  }
0x35: {  	[sflag:s12] =	ssyncadd.s32 $0xFFFFFF80  }
0x36: {  	_ =	swait.ge [sflag:s12], $0x80  }
0x37: {  	[sflag:s12] =	ssyncset.done $0x0  }
0x38: {  	[sflag:s12] =	ssyncadd.s32 $0xFFFFFF80  }
0x39: {  	_ =	swait.ge [sflag:s12], $0x80  }
0x3a: {  	[sflag:s12] =	ssyncset.done $0x0  }
0x3b: {  	[sflag:s12] =	ssyncadd.s32 $0xFFFFFF80  }
0x3c: {  	_ =	swait.ge [sflag:s12], $0x80  }
0x3d: {  	[sflag:s12] =	ssyncset.done $0x0  }
0x3e: {  	[sflag:s12] =	ssyncadd.s32 $0xFFFFFF80  }
0x3f: {  	_ =	swait.ge [sflag:s12], $0x80  }
0x40: {  	[sflag:s12] =	ssyncset.done $0x0  }
0x41: {  	[sflag:s12] =	ssyncadd.s32 $0xFFFFFF80  }
0x42: {  	_ =	swait.ge [sflag:s12], $0x80  }
0x43: {  	[sflag:s12] =	ssyncset.done $0x0  }
0x44: {  	[sflag:s12] =	ssyncadd.s32 $0xFFFFFF80  }
0x45: {  	_ =	swait.ge [sflag:s12], $0x80  }
0x46: {  	[sflag:s12] =	ssyncset.done $0x0  }
0x47: {  	[sflag:s12] =	ssyncadd.s32 $0xFFFFFF80  }
0x48: {  	_ =	swait.ge [sflag:s12], $0x80  }
0x49: {  	s16 =	simm.s32 $0x500;
	s17 =	simm.s32 $0x2800;
	[sflag:s12] =	ssyncset.done $0x0  }
.LBB2_2:
0x4a: {  	s18 =	sadd.s32 $0x2800, s16  }
0x4b: {  	[sflag:s12] =	ssyncadd.s32 $0xFFFFFF80;
	s15 =	smov.u32 s17;
	s14 =	sadd.s32 $0x1400, s17  }
0x4c: {  	[spmem:s2] =	stream.indirect.scatter.add.f32 [tilespmem:s16], [sflag:$0x1], $0x1, s18, s11, $0xb8;
	[tilespmem:$0x5040] =	vst v63  }
0x4d: {  	p1 =	sne.s32 s17, $0x8C00;
	s17 =	sadd.s32 $0x80, s16;
	s18 =	sadd.s32 $0x2880, s16  }
0x4e: {  	[spmem:s2] =	stream.indirect.scatter.add.f32 [tilespmem:s17], [sflag:$0x1], $0x1, s18, s11, $0xb8;
	[tilespmem:$0x5040] =	vst v63  }
0x4f: {  	s17 =	sadd.s32 $0x100, s16;
	s18 =	sadd.s32 $0x2900, s16  }
0x50: {  	[spmem:s2] =	stream.indirect.scatter.add.f32 [tilespmem:s17], [sflag:$0x1], $0x1, s18, s11, $0xb8;
	[tilespmem:$0x5040] =	vst v63  }
0x51: {  	s17 =	sadd.s32 $0x180, s16;
	s18 =	sadd.s32 $0x2980, s16  }
0x52: {  	[spmem:s2] =	stream.indirect.scatter.add.f32 [tilespmem:s17], [sflag:$0x1], $0x1, s18, s11, $0xb8;
	[tilespmem:$0x5040] =	vst v63  }
0x53: {  	s17 =	sadd.s32 $0x200, s16;
	s18 =	sadd.s32 $0x2A00, s16  }
0x54: {  	[spmem:s2] =	stream.indirect.scatter.add.f32 [tilespmem:s17], [sflag:$0x1], $0x1, s18, s11, $0xb8;
	[tilespmem:$0x5040] =	vst v63  }
0x55: {  	s17 =	sadd.s32 $0x280, s16;
	s18 =	sadd.s32 $0x2A80, s16  }
0x56: {  	[spmem:s2] =	stream.indirect.scatter.add.f32 [tilespmem:s17], [sflag:$0x1], $0x1, s18, s11, $0xb8;
	[tilespmem:$0x5040] =	vst v63  }
0x57: {  	s17 =	sadd.s32 $0x300, s16;
	s18 =	sadd.s32 $0x2B00, s16  }
0x58: {  	[spmem:s2] =	stream.indirect.scatter.add.f32 [tilespmem:s17], [sflag:$0x1], $0x1, s18, s11, $0xb8;
	[tilespmem:$0x5040] =	vst v63  }
0x59: {  	s17 =	sadd.s32 $0x380, s16;
	s18 =	sadd.s32 $0x2B80, s16  }
0x5a: {  	[spmem:s2] =	stream.indirect.scatter.add.f32 [tilespmem:s17], [sflag:$0x1], $0x1, s18, s11, $0xb8;
	[tilespmem:$0x5040] =	vst v63  }
0x5b: {  	s17 =	sadd.s32 $0x400, s16;
	s18 =	sadd.s32 $0x2C00, s16  }
0x5c: {  	[spmem:s2] =	stream.indirect.scatter.add.f32 [tilespmem:s17], [sflag:$0x1], $0x1, s18, s11, $0xb8;
	[tilespmem:$0x5040] =	vst v63  }
0x5d: {  	s17 =	sadd.s32 $0x480, s16;
	s16 =	sadd.s32 $0x2C80, s16  }
0x5e: {  	[spmem:s2] =	stream.indirect.scatter.add.f32 [tilespmem:s17], [sflag:$0x1], $0x1, s16, s11, $0xb8;
	[tilespmem:$0x5040] =	vst v63  }
0x5f: {  	_ =	swait.ge [sflag:s12], $0x80  }
0x60: {  	[sflag:s12] =	ssyncset.done $0x0  }
0x61: {  	[sflag:s12] =	ssyncadd.s32 $0xFFFFFF80  }
0x62: {  	_ =	swait.ge [sflag:s12], $0x80  }
0x63: {  	[sflag:s12] =	ssyncset.done $0x0  }
0x64: {  	[sflag:s12] =	ssyncadd.s32 $0xFFFFFF80  }
0x65: {  	_ =	swait.ge [sflag:s12], $0x80  }
0x66: {  	[sflag:s12] =	ssyncset.done $0x0  }
0x67: {  	[sflag:s12] =	ssyncadd.s32 $0xFFFFFF80  }
0x68: {  	_ =	swait.ge [sflag:s12], $0x80  }
0x69: {  	[sflag:s12] =	ssyncset.done $0x0  }
0x6a: {  	[sflag:s12] =	ssyncadd.s32 $0xFFFFFF80  }
0x6b: {  	_ =	swait.ge [sflag:s12], $0x80  }
0x6c: {  	[sflag:s12] =	ssyncset.done $0x0  }
0x6d: {  	[sflag:s12] =	ssyncadd.s32 $0xFFFFFF80  }
0x6e: {  	_ =	swait.ge [sflag:s12], $0x80  }
0x6f: {  	[sflag:s12] =	ssyncset.done $0x0  }
0x70: {  	[sflag:s12] =	ssyncadd.s32 $0xFFFFFF80  }
0x71: {  	_ =	swait.ge [sflag:s12], $0x80  }
0x72: {  	[sflag:s12] =	ssyncset.done $0x0  }
0x73: {  	[sflag:s12] =	ssyncadd.s32 $0xFFFFFF80  }
0x74: {  	_ =	swait.ge [sflag:s12], $0x80  }
0x75: {  	[sflag:s12] =	ssyncset.done $0x0  }
0x76: {  	[sflag:s12] =	ssyncadd.s32 $0xFFFFFF80  }
.Ltmp0:
0x77: {  	_ =	swait.ge [sflag:s12], $0x80;
	(pc) =	sbr.rel @p1 .LBB2_2-.Ltmp0, $4  }
0x78: {  	[sflag:s12] =	ssyncset.done $0x0  }
0x79: {  	[sflag:s12] =	ssyncadd.s32 $0xFFFFFF80  }
0x7a: {  	_ =	swait.ge [sflag:s12], $0x80  }
0x7b: {  	s16 =	sshra.s32 s15, $0x2;
	s17 =	smov.u32 s14;
	[sflag:s12] =	ssyncset.done $0x0  }
0x7c: {  	s14 =	sadd.s32 $0x2800, s16;
	[sflag:s12] =	ssyncadd.s32 $0xFFFFFF80  }
0x7d: {  	[spmem:s2] =	stream.indirect.scatter.add.f32 [tilespmem:s16], [sflag:$0x1], $0x1, s14, s11, $0xb8;
	[tilespmem:$0x5040] =	vst v63  }
0x7e: {  	s29 =	sadd.s32 $0x80, s16;
	s15 =	sadd.s32 $0x2880, s16  }
0x7f: {  	[spmem:s2] =	stream.indirect.scatter.add.f32 [tilespmem:s29], [sflag:$0x1], $0x1, s15, s11, $0xb8;
	[tilespmem:$0x5040] =	vst v63  }
0x80: {  	s30 =	sadd.s32 $0x100, s16;
	s31 =	sadd.s32 $0x2900, s16  }
0x81: {  	[spmem:s2] =	stream.indirect.scatter.add.f32 [tilespmem:s30], [sflag:$0x1], $0x1, s31, s11, $0xb8;
	[tilespmem:$0x5040] =	vst v63  }
0x82: {  	s17 =	sadd.s32 $0x180, s16;
	s18 =	sadd.s32 $0x2980, s16  }
0x83: {  	[spmem:s2] =	stream.indirect.scatter.add.f32 [tilespmem:s17], [sflag:$0x1], $0x1, s18, s11, $0xb8;
	[tilespmem:$0x5040] =	vst v63  }
0x84: {  	s19 =	sadd.s32 $0x200, s16;
	s20 =	sadd.s32 $0x2A00, s16  }
0x85: {  	[spmem:s2] =	stream.indirect.scatter.add.f32 [tilespmem:s19], [sflag:$0x1], $0x1, s20, s11, $0xb8;
	[tilespmem:$0x5040] =	vst v63  }
0x86: {  	s21 =	sadd.s32 $0x280, s16;
	s22 =	sadd.s32 $0x2A80, s16  }
0x87: {  	[spmem:s2] =	stream.indirect.scatter.add.f32 [tilespmem:s21], [sflag:$0x1], $0x1, s22, s11, $0xb8;
	[tilespmem:$0x5040] =	vst v63  }
0x88: {  	s23 =	sadd.s32 $0x300, s16;
	s24 =	sadd.s32 $0x2B00, s16  }
0x89: {  	[spmem:s2] =	stream.indirect.scatter.add.f32 [tilespmem:s23], [sflag:$0x1], $0x1, s24, s11, $0xb8;
	[tilespmem:$0x5040] =	vst v63  }
0x8a: {  	s25 =	sadd.s32 $0x380, s16;
	s26 =	sadd.s32 $0x2B80, s16  }
0x8b: {  	[spmem:s2] =	stream.indirect.scatter.add.f32 [tilespmem:s25], [sflag:$0x1], $0x1, s26, s11, $0xb8;
	[tilespmem:$0x5040] =	vst v63  }
0x8c: {  	s28 =	sadd.s32 $0x400, s16;
	s29 =	sadd.s32 $0x2C00, s16  }
0x8d: {  	[spmem:s2] =	stream.indirect.scatter.add.f32 [tilespmem:s28], [sflag:$0x1], $0x1, s29, s11, $0xb8;
	[tilespmem:$0x5040] =	vst v63  }
0x8e: {  	s30 =	sadd.s32 $0x480, s16;
	s31 =	sadd.s32 $0x2C80, s16  }
0x8f: {  	[spmem:s2] =	stream.indirect.scatter.add.f32 [tilespmem:s30], [sflag:$0x1], $0x1, s31, s11, $0xb8;
	[tilespmem:$0x5040] =	vst v63  }
0x90: {  	_ =	swait.ge [sflag:s12], $0x80  }
0x91: {  	[sflag:s12] =	ssyncset.done $0x0  }
0x92: {  	[sflag:s12] =	ssyncadd.s32 $0xFFFFFF80  }
0x93: {  	_ =	swait.ge [sflag:s12], $0x80  }
0x94: {  	[sflag:s12] =	ssyncset.done $0x0  }
0x95: {  	[sflag:s12] =	ssyncadd.s32 $0xFFFFFF80  }
0x96: {  	_ =	swait.ge [sflag:s12], $0x80  }
0x97: {  	[sflag:s12] =	ssyncset.done $0x0  }
0x98: {  	[sflag:s12] =	ssyncadd.s32 $0xFFFFFF80  }
0x99: {  	_ =	swait.ge [sflag:s12], $0x80  }
0x9a: {  	[sflag:s12] =	ssyncset.done $0x0  }
0x9b: {  	[sflag:s12] =	ssyncadd.s32 $0xFFFFFF80  }
0x9c: {  	_ =	swait.ge [sflag:s12], $0x80  }
0x9d: {  	[sflag:s12] =	ssyncset.done $0x0  }
0x9e: {  	[sflag:s12] =	ssyncadd.s32 $0xFFFFFF80  }
0x9f: {  	_ =	swait.ge [sflag:s12], $0x80  }
0xa0: {  	[sflag:s12] =	ssyncset.done $0x0  }
0xa1: {  	[sflag:s12] =	ssyncadd.s32 $0xFFFFFF80  }
0xa2: {  	_ =	swait.ge [sflag:s12], $0x80  }
0xa3: {  	[sflag:s12] =	ssyncset.done $0x0  }
0xa4: {  	[sflag:s12] =	ssyncadd.s32 $0xFFFFFF80  }
0xa5: {  	_ =	swait.ge [sflag:s12], $0x80  }
0xa6: {  	[sflag:s12] =	ssyncset.done $0x0  }
0xa7: {  	[sflag:s12] =	ssyncadd.s32 $0xFFFFFF80  }
0xa8: {  	_ =	swait.ge [sflag:s12], $0x80  }
0xa9: {  	[sflag:s12] =	ssyncset.done $0x0  }
0xaa: {  	[sflag:s12] =	ssyncadd.s32 $0xFFFFFF80  }
0xab: {  	_ =	swait.ge [sflag:s12], $0x80  }
0xac: {  	s13 =	sadd.s32 $0x1, s13;
	s14 =	simm.s32 @!p0 $0x1;
	[sflag:s12] =	ssyncset.done $0x0  }
0xad: {  	p1 =	sne.s32 s13, s7;
	s15 =	simm.s32 @!p0 $0x20;
	[sflag:s12] =	ssyncadd.s32 $0xFFFFFF80  }
0xae: {  	s16 =	simm.s32 @!p0 $0x10;
	s17 =	simm.s32 @!p0 $0x1C02;
	[bflag:$0x0] =	sbarrier.arrive $0xFFFF  }
0xaf: {  	[hbm:s6@s15], [sflag:s17] =	dma.strided @!p0 [spmem:s10@s16], $0x80, s14, $0x10   }
.Ltmp1:
0xb0: {  	_ = 	snop;
	(pc) =	sbr.rel @p1 .LBB2_1-.Ltmp1, $4  }
0xb1: {  	s14 =	simm.s32 @!p0 $0x2  }
0xb2: {  	_ =	swait.ge @!p0 [sflag:s14], $0x80  }
0xb3: {  	[sflag:s14] =	ssyncset.done @!p0 $0x0  }
0xb4: {  	[sflag:s14] =	ssyncadd.s32 @!p0 $0xFFFFFF80  }
0xb5: {  	_ =	sfence.sel $0x180000  }
0xb6: {  	[bflag:$0x0] =	sbarrier.arrive $0xFFFF  }
0xb7: {  	_ =	strace $0x90000047  }
0xb8: {  	s0 =	sadd.s32 @!p0 $0x100000, s1;
	[bflag:$0x2] =	sbarrier.arrive $0xFFFF  }
0xb9: {  	[sflag:s0] =	ssyncadd.tile.s32 @!p0 $0x1;
	_ =	shalt  }
.Lfunc_end2:
_tile_overlayer_lowered:
.L_overlay_start_2:
0xba: {  	(tag) =	ssettag $0x2  }
0xbb: {  	s0 =	rddreg [dreg:$0x0];
	s2 =	stileid.u32  }
0xbc: {  	s1 =	rddreg [dreg:$0x1];
	p0 =	sne.s32 s2, $0x0  }
0xbd: {  	s3 =	rddreg [dreg:$0x2];
	[bflag:$0x3] =	sbarrier.arrive $0xFFFF;
	s2 =	simm.s32 @!p0 $0x1C02  }
0xbe: {  	[timem:s3], [sflag:s2] =	dma.local @!p0 [hbm:s0], s1  }
0xbf: {  	s0 =	simm.s32 @!p0 $0x2  }
0xc0: {  	_ =	swait.ge @!p0 [sflag:s0], s1  }
0xc1: {  	s1 =	ssub.s32 @!p0 $0x0, s1;
	[sflag:s0] =	ssyncset.done @!p0 $0x0  }
0xc2: {  	[sflag:s0] =	ssyncadd.s32 @!p0 s1  }
0xc3: {  	[bflag:$0x3] =	sbarrier.arrive $0xFFFF  }
0xc4: {  	_ =	shalt  }

</sc_bundles>
